<compile_context>
chip_gen: v7x
topology: tpu7x:2x2x1
jax: 0.10.2.dev20260603
libtpu: 0.0.44.dev20260713+nightly
codegen_flags: <defaults>
</compile_context>

<pallas_src>
import functools

import jax
import jax.numpy as jnp
from jax import lax
from jax.experimental import pallas as pl
from jax.experimental.pallas import tpu as pltpu
from jax.experimental.pallas import tpu_sc as plsc

B_ = 4096
F_ = 26
DEPTH_ = 1000
NC_ = 2
NS_ = 16
NW_ = NC_ * NS_
EPW_ = B_ // NW_
EPB_ = 1
NBUF_ = 2
NBATCH_ = EPW_ // EPB_

_mesh = plsc.VectorSubcoreMesh(core_axis_name="c", subcore_axis_name="s")


@functools.partial(
    pl.kernel,
    mesh=_mesh,
    out_type=jax.ShapeDtypeStruct((B_, F_, DEPTH_), jnp.float32),
    scratch_types=[
        pltpu.VMEM((EPW_ * F_,), jnp.int32),
        pltpu.VMEM((EPB_, F_, DEPTH_), jnp.float32),
        pltpu.VMEM((EPB_, F_, DEPTH_), jnp.float32),
        pltpu.SemaphoreType.DMA((NBUF_,)),
    ],
    compiler_params=pltpu.CompilerParams(needs_layout_passes=False),
)
def _sc_onehot(idx_hbm, out_hbm, idx_v, buf0, buf1, sems):
    wid = lax.axis_index("s") * NC_ + lax.axis_index("c")
    ebase = wid * EPW_
    bufs = [buf0, buf1]

    iota = lax.iota(jnp.int32, 16)
    ones = jnp.full((16,), 1.0, jnp.float32)
    zeros = jnp.zeros((16,), jnp.float32)

    pltpu.sync_copy(idx_hbm.at[pl.ds(ebase * F_, EPW_ * F_)], idx_v)

    for buf in bufs:
        def zero_body(k, _, buf=buf):
            e = k // F_
            f = k % F_
            d0 = jnp.full((16,), e, jnp.int32)
            d1 = jnp.full((16,), f, jnp.int32)
            for c in range(63):
                d2 = c * 16 + iota
                plsc.store_scatter(buf, [d0, d1, d2], zeros, mask=d2 < DEPTH_)
            return 0
        lax.fori_loop(0, EPB_ * F_, zero_body, 0)

    def scatter_elem(buf, gb, e, vals16):
        row = gb * EPB_ + e
        d0 = jnp.full((16,), e, jnp.int32)
        for go in (0, F_ - 16):
            off = row * F_ + go
            vals = idx_v[pl.ds(off, 16)]
            d1 = go + iota
            plsc.store_scatter(buf, [d0, d1, vals], vals16)

    def batch_body(gb, _):
        q = lax.rem(gb, NBUF_)
        for qq in range(NBUF_):
            @pl.when(q == qq)
            def _do(qq=qq):
                buf = bufs[qq]

                @pl.when(gb >= NBUF_)
                def _recycle():
                    pltpu.make_async_copy(
                        buf, out_hbm.at[pl.ds(ebase, EPB_)], sems.at[qq]
                    ).wait()
                    for e in range(EPB_):
                        scatter_elem(buf, gb - NBUF_, e, zeros)

                for e in range(EPB_):
                    scatter_elem(buf, gb, e, ones)

                pltpu.async_copy(
                    buf,
                    out_hbm.at[pl.ds(ebase + gb * EPB_, EPB_)],
                    sems.at[qq],
                )
        return 0

    lax.fori_loop(0, NBATCH_, batch_body, 0)

    for qq in range(NBUF_):
        pltpu.make_async_copy(
            bufs[qq], out_hbm.at[pl.ds(ebase, EPB_)], sems.at[qq]
        ).wait()


def kernel(indices):
    idx_flat = indices.reshape(-1).astype(jnp.int32)
    return _sc_onehot(idx_flat)

# --- scband reference (transcript-rebuilt; emitter-appended) ---
"""Pipeline reference for scband-one-hot-50302656971030 (READ-ONLY COPY).

The authoritative reference and input builder live on the scoring server;
editing this copy changes nothing except your own understanding.
"""

import jax, jax.numpy as jnp
import numpy as np

DEPTH = 1000

def setup_inputs(seed: int = 0) -> dict:
    key = jax.random.key(seed)
    indices = jax.random.randint(key, (4096, 26), 0, DEPTH, dtype=jnp.int64)
    return {"indices": indices}

def reference(indices) -> jnp.ndarray:
    # Faithful translation of OneHot.forward: allocate zeros of shape
    # indices.shape + (depth,) and scatter-write 1 at the index position
    # along the last dim, then cast to the configured dtype (float32).
    # (indices[..., None] == arange(depth)) produces the identical tensor
    # to torch's scatter_ with src=ones.
    iota = jnp.arange(DEPTH, dtype=indices.dtype)
    x_one_hot = (indices[..., None] == iota)
    return x_one_hot.astype(jnp.float32)

if __name__ == "__main__":
    import jax
    _d = setup_inputs()
    print(jax.jit(kernel)(*tuple(_d.values())))

</pallas_src>

<mosaic_0001>
#map = affine_map<(d0, d1) -> (0)>
#map1 = affine_map<(d0, d1) -> (0, 0, 0)>
module attributes {stable_mosaic.version = 14 : i64} {
  func.func @_sc_onehot(%arg0: i32, %arg1: i32, %arg2: memref<106496xi32, #tpu.memory_space<hbm>>, %arg3: memref<4096x26x1000xf32, #tpu.memory_space<hbm>>, %arg4: memref<3328xi32, #tpu.memory_space<vmem>>, %arg5: memref<1x26x1000xf32, #tpu.memory_space<vmem>>, %arg6: memref<1x26x1000xf32, #tpu.memory_space<vmem>>, %arg7: memref<2x!tpu.dma_semaphore, #tpu.memory_space<semaphore_mem>>) attributes {dimension_semantics = [#tpu.dimension_semantics<core_parallel>, #tpu.dimension_semantics<subcore_parallel>], iteration_bounds = array<i64: 2, 16>, scalar_prefetch = 0 : i64, scratch_operands = 4 : i64, tpu.core_type = #tpu.core_type<sc_vector_subcore>, window_params = [{transform_indices = #map}, {transform_indices = #map1}]} {
    %mul3A = arith.constant 2 : i32
    %mul3A_0 = arith.muli %arg1, %mul3A : i32
    %add3A = arith.addi %mul3A_0, %arg0 : i32
    %mul3A_1 = arith.constant 128 : i32
    %mul3A_2 = arith.muli %add3A, %mul3A_1 : i32
    %iota3A = tpu.iota {dimensions = array<i32: 0>} : vector<16xi32>
    %broadcast_in_dim3A = arith.constant 1.000000e+00 : f32
    %broadcast_in_dim3A_3 = vector.broadcast %broadcast_in_dim3A : f32 to vector<16xf32>
    %broadcast_in_dim3A_4 = arith.constant 0.000000e+00 : f32
    %broadcast_in_dim3A_5 = vector.broadcast %broadcast_in_dim3A_4 : f32 to vector<16xf32>
    %mul3A_6 = arith.constant 26 : i32
    %mul3A_7 = arith.muli %mul3A_2, %mul3A_6 : i32
    "tpu.region"() ({
      %run_scoped3A = tpu.sem_alloc : memref<!tpu.dma_semaphore, #tpu.memory_space<semaphore_mem>>
      %dma_start3A = tpu.memref_slice %arg2[%mul3A_7] : memref<106496xi32, #tpu.memory_space<hbm>> -> memref<3328xi32, #tpu.memory_space<hbm>>
      %dma_start3A_45 = tpu.memref_slice %arg2[%mul3A_7] : memref<106496xi32, #tpu.memory_space<hbm>> -> memref<3328xi32, #tpu.memory_space<hbm>>
      tpu.enqueue_dma source(%dma_start3A_45 : memref<3328xi32, #tpu.memory_space<hbm>>) target(%arg4 : memref<3328xi32, #tpu.memory_space<vmem>>) target_semaphore(%run_scoped3A : memref<!tpu.dma_semaphore, #tpu.memory_space<semaphore_mem>>)
      %dma_wait3A_46 = tpu.memref_slice %arg2[%mul3A_7] : memref<106496xi32, #tpu.memory_space<hbm>> -> memref<3328xi32, #tpu.memory_space<hbm>>
      %dma_wait3A_47 = tpu.memref_slice %arg2[%mul3A_7] : memref<106496xi32, #tpu.memory_space<hbm>> -> memref<3328xi32, #tpu.memory_space<hbm>>
      tpu.wait_dma2 semaphore(%run_scoped3A : memref<!tpu.dma_semaphore, #tpu.memory_space<semaphore_mem>>) src(%dma_wait3A_47 : memref<3328xi32, #tpu.memory_space<hbm>>) dst(%arg4 : memref<3328xi32, #tpu.memory_space<vmem>>)
      tpu.yield
    }) : () -> ()
    %scan3A = arith.constant 0 : i32
    %scan3A_8 = arith.constant 0 : i32
    %scan3A_9 = arith.constant 26 : i32
    %scan3A_10 = arith.addi %scan3A_8, %scan3A_9 : i32
    %scan3A_11 = arith.constant 1 : i32
    %scan3A_12 = scf.for %scan3A_45 = %scan3A_8 to %scan3A_10 step %scan3A_11 iter_args(%scan3A_46 = %scan3A) -> (i32)  : i32 {
      %jit3A = arith.constant 26 : i32
      %div3A = arith.divsi %scan3A_45, %jit3A : i32
      %sign3A = arith.constant 0 : i32
      %sign3A_47 = arith.cmpi sgt, %scan3A_45, %sign3A : i32
      %sign3A_48 = arith.extui %sign3A_47 : i1 to i32
      %sign3A_49 = arith.constant 0 : i32
      %sign3A_50 = arith.cmpi slt, %scan3A_45, %sign3A_49 : i32
      %sign3A_51 = arith.extui %sign3A_50 : i1 to i32
      %sign3A_52 = arith.subi %sign3A_48, %sign3A_51 : i32
      %sign3A_53 = arith.constant 0 : i32
      %sign3A_54 = arith.cmpi sgt, %jit3A, %sign3A_53 : i32
      %sign3A_55 = arith.extui %sign3A_54 : i1 to i32
      %sign3A_56 = arith.constant 0 : i32
      %sign3A_57 = arith.cmpi slt, %jit3A, %sign3A_56 : i32
      %sign3A_58 = arith.extui %sign3A_57 : i1 to i32
      %sign3A_59 = arith.subi %sign3A_55, %sign3A_58 : i32
      %ne3A = arith.cmpi ne, %sign3A_52, %sign3A_59 : i32
      %rem3A = arith.remsi %scan3A_45, %jit3A : i32
      %ne3A_60 = arith.constant 0 : i32
      %ne3A_61 = arith.cmpi ne, %rem3A, %ne3A_60 : i32
      %and3A = arith.andi %ne3A, %ne3A_61 : i1
      %sub3A = arith.constant 1 : i32
      %sub3A_62 = arith.subi %div3A, %sub3A : i32
      %select_n3A = arith.select %and3A, %sub3A_62, %div3A : i32
      %jit3A_63 = arith.constant 26 : i32
      %eq3A = arith.constant 0 : i32
      %eq3A_64 = arith.cmpi eq, %jit3A_63, %eq3A : i32
      %jit3A_65 = arith.constant 1 : i32
      %select_n3A_66 = arith.select %eq3A_64, %jit3A_65, %jit3A_63 : i32
      %rem3A_67 = arith.remsi %scan3A_45, %select_n3A_66 : i32
      %ne3A_68 = arith.constant 0 : i32
      %ne3A_69 = arith.cmpi ne, %rem3A_67, %ne3A_68 : i32
      %lt3A = arith.constant 0 : i32
      %lt3A_70 = arith.cmpi slt, %rem3A_67, %lt3A : i32
      %lt3A_71 = arith.constant 0 : i32
      %lt3A_72 = arith.cmpi slt, %select_n3A_66, %lt3A_71 : i32
      %ne3A_73 = arith.xori %lt3A_70, %lt3A_72 : i1
      %and3A_74 = arith.andi %ne3A_73, %ne3A_69 : i1
      %add3A_75 = arith.addi %rem3A_67, %select_n3A_66 : i32
      %select_n3A_76 = arith.select %and3A_74, %add3A_75, %rem3A_67 : i32
      %broadcast_in_dim3A_77 = vector.broadcast %select_n3A : i32 to vector<16xi32>
      %broadcast_in_dim3A_78 = vector.broadcast %select_n3A_76 : i32 to vector<16xi32>
      %add3A_79 = arith.constant 0 : i32
      %add3A_80 = vector.broadcast %add3A_79 : i32 to vector<16xi32>
      %add3A_81 = arith.addi %add3A_80, %iota3A : vector<16xi32>
      %lt3A_82 = arith.constant 1000 : i32
      %lt3A_83 = vector.broadcast %lt3A_82 : i32 to vector<16xi32>
      %lt3A_84 = arith.cmpi slt, %add3A_81, %lt3A_83 : vector<16xi32>
      tpu.vector_store_idx %arg5[%broadcast_in_dim3A_77, %broadcast_in_dim3A_78, %add3A_81], %broadcast_in_dim3A_5 masked %lt3A_84 : memref<1x26x1000xf32, #tpu.memory_space<vmem>>[vector<16xi32>, vector<16xi32>, vector<16xi32>], vector<16xf32>, vector<16xi1>
      %add3A_85 = arith.constant 16 : i32
      %add3A_86 = vector.broadcast %add3A_85 : i32 to vector<16xi32>
      %add3A_87 = arith.addi %add3A_86, %iota3A : vector<16xi32>
      %lt3A_88 = arith.constant 1000 : i32
      %lt3A_89 = vector.broadcast %lt3A_88 : i32 to vector<16xi32>
      %lt3A_90 = arith.cmpi slt, %add3A_87, %lt3A_89 : vector<16xi32>
      tpu.vector_store_idx %arg5[%broadcast_in_dim3A_77, %broadcast_in_dim3A_78, %add3A_87], %broadcast_in_dim3A_5 masked %lt3A_90 : memref<1x26x1000xf32, #tpu.memory_space<vmem>>[vector<16xi32>, vector<16xi32>, vector<16xi32>], vector<16xf32>, vector<16xi1>
      %add3A_91 = arith.constant 32 : i32
      %add3A_92 = vector.broadcast %add3A_91 : i32 to vector<16xi32>
      %add3A_93 = arith.addi %add3A_92, %iota3A : vector<16xi32>
      %lt3A_94 = arith.constant 1000 : i32
      %lt3A_95 = vector.broadcast %lt3A_94 : i32 to vector<16xi32>
      %lt3A_96 = arith.cmpi slt, %add3A_93, %lt3A_95 : vector<16xi32>
      tpu.vector_store_idx %arg5[%broadcast_in_dim3A_77, %broadcast_in_dim3A_78, %add3A_93], %broadcast_in_dim3A_5 masked %lt3A_96 : memref<1x26x1000xf32, #tpu.memory_space<vmem>>[vector<16xi32>, vector<16xi32>, vector<16xi32>], vector<16xf32>, vector<16xi1>
      %add3A_97 = arith.constant 48 : i32
      %add3A_98 = vector.broadcast %add3A_97 : i32 to vector<16xi32>
      %add3A_99 = arith.addi %add3A_98, %iota3A : vector<16xi32>
      %lt3A_100 = arith.constant 1000 : i32
      %lt3A_101 = vector.broadcast %lt3A_100 : i32 to vector<16xi32>
      %lt3A_102 = arith.cmpi slt, %add3A_99, %lt3A_101 : vector<16xi32>
      tpu.vector_store_idx %arg5[%broadcast_in_dim3A_77, %broadcast_in_dim3A_78, %add3A_99], %broadcast_in_dim3A_5 masked %lt3A_102 : memref<1x26x1000xf32, #tpu.memory_space<vmem>>[vector<16xi32>, vector<16xi32>, vector<16xi32>], vector<16xf32>, vector<16xi1>
      %add3A_103 = arith.constant 64 : i32
      %add3A_104 = vector.broadcast %add3A_103 : i32 to vector<16xi32>
      %add3A_105 = arith.addi %add3A_104, %iota3A : vector<16xi32>
      %lt3A_106 = arith.constant 1000 : i32
      %lt3A_107 = vector.broadcast %lt3A_106 : i32 to vector<16xi32>
      %lt3A_108 = arith.cmpi slt, %add3A_105, %lt3A_107 : vector<16xi32>
      tpu.vector_store_idx %arg5[%broadcast_in_dim3A_77, %broadcast_in_dim3A_78, %add3A_105], %broadcast_in_dim3A_5 masked %lt3A_108 : memref<1x26x1000xf32, #tpu.memory_space<vmem>>[vector<16xi32>, vector<16xi32>, vector<16xi32>], vector<16xf32>, vector<16xi1>
      %add3A_109 = arith.constant 80 : i32
      %add3A_110 = vector.broadcast %add3A_109 : i32 to vector<16xi32>
      %add3A_111 = arith.addi %add3A_110, %iota3A : vector<16xi32>
      %lt3A_112 = arith.constant 1000 : i32
      %lt3A_113 = vector.broadcast %lt3A_112 : i32 to vector<16xi32>
      %lt3A_114 = arith.cmpi slt, %add3A_111, %lt3A_113 : vector<16xi32>
      tpu.vector_store_idx %arg5[%broadcast_in_dim3A_77, %broadcast_in_dim3A_78, %add3A_111], %broadcast_in_dim3A_5 masked %lt3A_114 : memref<1x26x1000xf32, #tpu.memory_space<vmem>>[vector<16xi32>, vector<16xi32>, vector<16xi32>], vector<16xf32>, vector<16xi1>
      %add3A_115 = arith.constant 96 : i32
      %add3A_116 = vector.broadcast %add3A_115 : i32 to vector<16xi32>
      %add3A_117 = arith.addi %add3A_116, %iota3A : vector<16xi32>
      %lt3A_118 = arith.constant 1000 : i32
      %lt3A_119 = vector.broadcast %lt3A_118 : i32 to vector<16xi32>
      %lt3A_120 = arith.cmpi slt, %add3A_117, %lt3A_119 : vector<16xi32>
      tpu.vector_store_idx %arg5[%broadcast_in_dim3A_77, %broadcast_in_dim3A_78, %add3A_117], %broadcast_in_dim3A_5 masked %lt3A_120 : memref<1x26x1000xf32, #tpu.memory_space<vmem>>[vector<16xi32>, vector<16xi32>, vector<16xi32>], vector<16xf32>, vector<16xi1>
      %add3A_121 = arith.constant 112 : i32
      %add3A_122 = vector.broadcast %add3A_121 : i32 to vector<16xi32>
      %add3A_123 = arith.addi %add3A_122, %iota3A : vector<16xi32>
      %lt3A_124 = arith.constant 1000 : i32
      %lt3A_125 = vector.broadcast %lt3A_124 : i32 to vector<16xi32>
      %lt3A_126 = arith.cmpi slt, %add3A_123, %lt3A_125 : vector<16xi32>
      tpu.vector_store_idx %arg5[%broadcast_in_dim3A_77, %broadcast_in_dim3A_78, %add3A_123], %broadcast_in_dim3A_5 masked %lt3A_126 : memref<1x26x1000xf32, #tpu.memory_space<vmem>>[vector<16xi32>, vector<16xi32>, vector<16xi32>], vector<16xf32>, vector<16xi1>
      %add3A_127 = arith.constant 128 : i32
      %add3A_128 = vector.broadcast %add3A_127 : i32 to vector<16xi32>
      %add3A_129 = arith.addi %add3A_128, %iota3A : vector<16xi32>
      %lt3A_130 = arith.constant 1000 : i32
      %lt3A_131 = vector.broadcast %lt3A_130 : i32 to vector<16xi32>
      %lt3A_132 = arith.cmpi slt, %add3A_129, %lt3A_131 : vector<16xi32>
      tpu.vector_store_idx %arg5[%broadcast_in_dim3A_77, %broadcast_in_dim3A_78, %add3A_129], %broadcast_in_dim3A_5 masked %lt3A_132 : memref<1x26x1000xf32, #tpu.memory_space<vmem>>[vector<16xi32>, vector<16xi32>, vector<16xi32>], vector<16xf32>, vector<16xi1>
      %add3A_133 = arith.constant 144 : i32
      %add3A_134 = vector.broadcast %add3A_133 : i32 to vector<16xi32>
      %add3A_135 = arith.addi %add3A_134, %iota3A : vector<16xi32>
      %lt3A_136 = arith.constant 1000 : i32
      %lt3A_137 = vector.broadcast %lt3A_136 : i32 to vector<16xi32>
      %lt3A_138 = arith.cmpi slt, %add3A_135, %lt3A_137 : vector<16xi32>
      tpu.vector_store_idx %arg5[%broadcast_in_dim3A_77, %broadcast_in_dim3A_78, %add3A_135], %broadcast_in_dim3A_5 masked %lt3A_138 : memref<1x26x1000xf32, #tpu.memory_space<vmem>>[vector<16xi32>, vector<16xi32>, vector<16xi32>], vector<16xf32>, vector<16xi1>
      %add3A_139 = arith.constant 160 : i32
      %add3A_140 = vector.broadcast %add3A_139 : i32 to vector<16xi32>
      %add3A_141 = arith.addi %add3A_140, %iota3A : vector<16xi32>
      %lt3A_142 = arith.constant 1000 : i32
      %lt3A_143 = vector.broadcast %lt3A_142 : i32 to vector<16xi32>
      %lt3A_144 = arith.cmpi slt, %add3A_141, %lt3A_143 : vector<16xi32>
      tpu.vector_store_idx %arg5[%broadcast_in_dim3A_77, %broadcast_in_dim3A_78, %add3A_141], %broadcast_in_dim3A_5 masked %lt3A_144 : memref<1x26x1000xf32, #tpu.memory_space<vmem>>[vector<16xi32>, vector<16xi32>, vector<16xi32>], vector<16xf32>, vector<16xi1>
      %add3A_145 = arith.constant 176 : i32
      %add3A_146 = vector.broadcast %add3A_145 : i32 to vector<16xi32>
      %add3A_147 = arith.addi %add3A_146, %iota3A : vector<16xi32>
      %lt3A_148 = arith.constant 1000 : i32
      %lt3A_149 = vector.broadcast %lt3A_148 : i32 to vector<16xi32>
      %lt3A_150 = arith.cmpi slt, %add3A_147, %lt3A_149 : vector<16xi32>
      tpu.vector_store_idx %arg5[%broadcast_in_dim3A_77, %broadcast_in_dim3A_78, %add3A_147], %broadcast_in_dim3A_5 masked %lt3A_150 : memref<1x26x1000xf32, #tpu.memory_space<vmem>>[vector<16xi32>, vector<16xi32>, vector<16xi32>], vector<16xf32>, vector<16xi1>
      %add3A_151 = arith.constant 192 : i32
      %add3A_152 = vector.broadcast %add3A_151 : i32 to vector<16xi32>
      %add3A_153 = arith.addi %add3A_152, %iota3A : vector<16xi32>
      %lt3A_154 = arith.constant 1000 : i32
      %lt3A_155 = vector.broadcast %lt3A_154 : i32 to vector<16xi32>
      %lt3A_156 = arith.cmpi slt, %add3A_153, %lt3A_155 : vector<16xi32>
      tpu.vector_store_idx %arg5[%broadcast_in_dim3A_77, %broadcast_in_dim3A_78, %add3A_153], %broadcast_in_dim3A_5 masked %lt3A_156 : memref<1x26x1000xf32, #tpu.memory_space<vmem>>[vector<16xi32>, vector<16xi32>, vector<16xi32>], vector<16xf32>, vector<16xi1>
      %add3A_157 = arith.constant 208 : i32
      %add3A_158 = vector.broadcast %add3A_157 : i32 to vector<16xi32>
      %add3A_159 = arith.addi %add3A_158, %iota3A : vector<16xi32>
      %lt3A_160 = arith.constant 1000 : i32
      %lt3A_161 = vector.broadcast %lt3A_160 : i32 to vector<16xi32>
      %lt3A_162 = arith.cmpi slt, %add3A_159, %lt3A_161 : vector<16xi32>
      tpu.vector_store_idx %arg5[%broadcast_in_dim3A_77, %broadcast_in_dim3A_78, %add3A_159], %broadcast_in_dim3A_5 masked %lt3A_162 : memref<1x26x1000xf32, #tpu.memory_space<vmem>>[vector<16xi32>, vector<16xi32>, vector<16xi32>], vector<16xf32>, vector<16xi1>
      %add3A_163 = arith.constant 224 : i32
      %add3A_164 = vector.broadcast %add3A_163 : i32 to vector<16xi32>
      %add3A_165 = arith.addi %add3A_164, %iota3A : vector<16xi32>
      %lt3A_166 = arith.constant 1000 : i32
      %lt3A_167 = vector.broadcast %lt3A_166 : i32 to vector<16xi32>
      %lt3A_168 = arith.cmpi slt, %add3A_165, %lt3A_167 : vector<16xi32>
      tpu.vector_store_idx %arg5[%broadcast_in_dim3A_77, %broadcast_in_dim3A_78, %add3A_165], %broadcast_in_dim3A_5 masked %lt3A_168 : memref<1x26x1000xf32, #tpu.memory_space<vmem>>[vector<16xi32>, vector<16xi32>, vector<16xi32>], vector<16xf32>, vector<16xi1>
      %add3A_169 = arith.constant 240 : i32
      %add3A_170 = vector.broadcast %add3A_169 : i32 to vector<16xi32>
      %add3A_171 = arith.addi %add3A_170, %iota3A : vector<16xi32>
      %lt3A_172 = arith.constant 1000 : i32
      %lt3A_173 = vector.broadcast %lt3A_172 : i32 to vector<16xi32>
      %lt3A_174 = arith.cmpi slt, %add3A_171, %lt3A_173 : vector<16xi32>
      tpu.vector_store_idx %arg5[%broadcast_in_dim3A_77, %broadcast_in_dim3A_78, %add3A_171], %broadcast_in_dim3A_5 masked %lt3A_174 : memref<1x26x1000xf32, #tpu.memory_space<vmem>>[vector<16xi32>, vector<16xi32>, vector<16xi32>], vector<16xf32>, vector<16xi1>
      %add3A_175 = arith.constant 256 : i32
      %add3A_176 = vector.broadcast %add3A_175 : i32 to vector<16xi32>
      %add3A_177 = arith.addi %add3A_176, %iota3A : vector<16xi32>
      %lt3A_178 = arith.constant 1000 : i32
      %lt3A_179 = vector.broadcast %lt3A_178 : i32 to vector<16xi32>
      %lt3A_180 = arith.cmpi slt, %add3A_177, %lt3A_179 : vector<16xi32>
      tpu.vector_store_idx %arg5[%broadcast_in_dim3A_77, %broadcast_in_dim3A_78, %add3A_177], %broadcast_in_dim3A_5 masked %lt3A_180 : memref<1x26x1000xf32, #tpu.memory_space<vmem>>[vector<16xi32>, vector<16xi32>, vector<16xi32>], vector<16xf32>, vector<16xi1>
      %add3A_181 = arith.constant 272 : i32
      %add3A_182 = vector.broadcast %add3A_181 : i32 to vector<16xi32>
      %add3A_183 = arith.addi %add3A_182, %iota3A : vector<16xi32>
      %lt3A_184 = arith.constant 1000 : i32
      %lt3A_185 = vector.broadcast %lt3A_184 : i32 to vector<16xi32>
      %lt3A_186 = arith.cmpi slt, %add3A_183, %lt3A_185 : vector<16xi32>
      tpu.vector_store_idx %arg5[%broadcast_in_dim3A_77, %broadcast_in_dim3A_78, %add3A_183], %broadcast_in_dim3A_5 masked %lt3A_186 : memref<1x26x1000xf32, #tpu.memory_space<vmem>>[vector<16xi32>, vector<16xi32>, vector<16xi32>], vector<16xf32>, vector<16xi1>
      %add3A_187 = arith.constant 288 : i32
      %add3A_188 = vector.broadcast %add3A_187 : i32 to vector<16xi32>
      %add3A_189 = arith.addi %add3A_188, %iota3A : vector<16xi32>
      %lt3A_190 = arith.constant 1000 : i32
      %lt3A_191 = vector.broadcast %lt3A_190 : i32 to vector<16xi32>
      %lt3A_192 = arith.cmpi slt, %add3A_189, %lt3A_191 : vector<16xi32>
      tpu.vector_store_idx %arg5[%broadcast_in_dim3A_77, %broadcast_in_dim3A_78, %add3A_189], %broadcast_in_dim3A_5 masked %lt3A_192 : memref<1x26x1000xf32, #tpu.memory_space<vmem>>[vector<16xi32>, vector<16xi32>, vector<16xi32>], vector<16xf32>, vector<16xi1>
      %add3A_193 = arith.constant 304 : i32
      %add3A_194 = vector.broadcast %add3A_193 : i32 to vector<16xi32>
      %add3A_195 = arith.addi %add3A_194, %iota3A : vector<16xi32>
      %lt3A_196 = arith.constant 1000 : i32
      %lt3A_197 = vector.broadcast %lt3A_196 : i32 to vector<16xi32>
      %lt3A_198 = arith.cmpi slt, %add3A_195, %lt3A_197 : vector<16xi32>
      tpu.vector_store_idx %arg5[%broadcast_in_dim3A_77, %broadcast_in_dim3A_78, %add3A_195], %broadcast_in_dim3A_5 masked %lt3A_198 : memref<1x26x1000xf32, #tpu.memory_space<vmem>>[vector<16xi32>, vector<16xi32>, vector<16xi32>], vector<16xf32>, vector<16xi1>
      %add3A_199 = arith.constant 320 : i32
      %add3A_200 = vector.broadcast %add3A_199 : i32 to vector<16xi32>
      %add3A_201 = arith.addi %add3A_200, %iota3A : vector<16xi32>
      %lt3A_202 = arith.constant 1000 : i32
      %lt3A_203 = vector.broadcast %lt3A_202 : i32 to vector<16xi32>
      %lt3A_204 = arith.cmpi slt, %add3A_201, %lt3A_203 : vector<16xi32>
      tpu.vector_store_idx %arg5[%broadcast_in_dim3A_77, %broadcast_in_dim3A_78, %add3A_201], %broadcast_in_dim3A_5 masked %lt3A_204 : memref<1x26x1000xf32, #tpu.memory_space<vmem>>[vector<16xi32>, vector<16xi32>, vector<16xi32>], vector<16xf32>, vector<16xi1>
      %add3A_205 = arith.constant 336 : i32
      %add3A_206 = vector.broadcast %add3A_205 : i32 to vector<16xi32>
      %add3A_207 = arith.addi %add3A_206, %iota3A : vector<16xi32>
      %lt3A_208 = arith.constant 1000 : i32
      %lt3A_209 = vector.broadcast %lt3A_208 : i32 to vector<16xi32>
      %lt3A_210 = arith.cmpi slt, %add3A_207, %lt3A_209 : vector<16xi32>
      tpu.vector_store_idx %arg5[%broadcast_in_dim3A_77, %broadcast_in_dim3A_78, %add3A_207], %broadcast_in_dim3A_5 masked %lt3A_210 : memref<1x26x1000xf32, #tpu.memory_space<vmem>>[vector<16xi32>, vector<16xi32>, vector<16xi32>], vector<16xf32>, vector<16xi1>
      %add3A_211 = arith.constant 352 : i32
      %add3A_212 = vector.broadcast %add3A_211 : i32 to vector<16xi32>
      %add3A_213 = arith.addi %add3A_212, %iota3A : vector<16xi32>
      %lt3A_214 = arith.constant 1000 : i32
      %lt3A_215 = vector.broadcast %lt3A_214 : i32 to vector<16xi32>
      %lt3A_216 = arith.cmpi slt, %add3A_213, %lt3A_215 : vector<16xi32>
      tpu.vector_store_idx %arg5[%broadcast_in_dim3A_77, %broadcast_in_dim3A_78, %add3A_213], %broadcast_in_dim3A_5 masked %lt3A_216 : memref<1x26x1000xf32, #tpu.memory_space<vmem>>[vector<16xi32>, vector<16xi32>, vector<16xi32>], vector<16xf32>, vector<16xi1>
      %add3A_217 = arith.constant 368 : i32
      %add3A_218 = vector.broadcast %add3A_217 : i32 to vector<16xi32>
      %add3A_219 = arith.addi %add3A_218, %iota3A : vector<16xi32>
      %lt3A_220 = arith.constant 1000 : i32
      %lt3A_221 = vector.broadcast %lt3A_220 : i32 to vector<16xi32>
      %lt3A_222 = arith.cmpi slt, %add3A_219, %lt3A_221 : vector<16xi32>
      tpu.vector_store_idx %arg5[%broadcast_in_dim3A_77, %broadcast_in_dim3A_78, %add3A_219], %broadcast_in_dim3A_5 masked %lt3A_222 : memref<1x26x1000xf32, #tpu.memory_space<vmem>>[vector<16xi32>, vector<16xi32>, vector<16xi32>], vector<16xf32>, vector<16xi1>
      %add3A_223 = arith.constant 384 : i32
      %add3A_224 = vector.broadcast %add3A_223 : i32 to vector<16xi32>
      %add3A_225 = arith.addi %add3A_224, %iota3A : vector<16xi32>
      %lt3A_226 = arith.constant 1000 : i32
      %lt3A_227 = vector.broadcast %lt3A_226 : i32 to vector<16xi32>
      %lt3A_228 = arith.cmpi slt, %add3A_225, %lt3A_227 : vector<16xi32>
      tpu.vector_store_idx %arg5[%broadcast_in_dim3A_77, %broadcast_in_dim3A_78, %add3A_225], %broadcast_in_dim3A_5 masked %lt3A_228 : memref<1x26x1000xf32, #tpu.memory_space<vmem>>[vector<16xi32>, vector<16xi32>, vector<16xi32>], vector<16xf32>, vector<16xi1>
      %add3A_229 = arith.constant 400 : i32
      %add3A_230 = vector.broadcast %add3A_229 : i32 to vector<16xi32>
      %add3A_231 = arith.addi %add3A_230, %iota3A : vector<16xi32>
      %lt3A_232 = arith.constant 1000 : i32
      %lt3A_233 = vector.broadcast %lt3A_232 : i32 to vector<16xi32>
      %lt3A_234 = arith.cmpi slt, %add3A_231, %lt3A_233 : vector<16xi32>
      tpu.vector_store_idx %arg5[%broadcast_in_dim3A_77, %broadcast_in_dim3A_78, %add3A_231], %broadcast_in_dim3A_5 masked %lt3A_234 : memref<1x26x1000xf32, #tpu.memory_space<vmem>>[vector<16xi32>, vector<16xi32>, vector<16xi32>], vector<16xf32>, vector<16xi1>
      %add3A_235 = arith.constant 416 : i32
      %add3A_236 = vector.broadcast %add3A_235 : i32 to vector<16xi32>
      %add3A_237 = arith.addi %add3A_236, %iota3A : vector<16xi32>
      %lt3A_238 = arith.constant 1000 : i32
      %lt3A_239 = vector.broadcast %lt3A_238 : i32 to vector<16xi32>
      %lt3A_240 = arith.cmpi slt, %add3A_237, %lt3A_239 : vector<16xi32>
      tpu.vector_store_idx %arg5[%broadcast_in_dim3A_77, %broadcast_in_dim3A_78, %add3A_237], %broadcast_in_dim3A_5 masked %lt3A_240 : memref<1x26x1000xf32, #tpu.memory_space<vmem>>[vector<16xi32>, vector<16xi32>, vector<16xi32>], vector<16xf32>, vector<16xi1>
      %add3A_241 = arith.constant 432 : i32
      %add3A_242 = vector.broadcast %add3A_241 : i32 to vector<16xi32>
      %add3A_243 = arith.addi %add3A_242, %iota3A : vector<16xi32>
      %lt3A_244 = arith.constant 1000 : i32
      %lt3A_245 = vector.broadcast %lt3A_244 : i32 to vector<16xi32>
      %lt3A_246 = arith.cmpi slt, %add3A_243, %lt3A_245 : vector<16xi32>
      tpu.vector_store_idx %arg5[%broadcast_in_dim3A_77, %broadcast_in_dim3A_78, %add3A_243], %broadcast_in_dim3A_5 masked %lt3A_246 : memref<1x26x1000xf32, #tpu.memory_space<vmem>>[vector<16xi32>, vector<16xi32>, vector<16xi32>], vector<16xf32>, vector<16xi1>
      %add3A_247 = arith.constant 448 : i32
      %add3A_248 = vector.broadcast %add3A_247 : i32 to vector<16xi32>
      %add3A_249 = arith.addi %add3A_248, %iota3A : vector<16xi32>
      %lt3A_250 = arith.constant 1000 : i32
      %lt3A_251 = vector.broadcast %lt3A_250 : i32 to vector<16xi32>
      %lt3A_252 = arith.cmpi slt, %add3A_249, %lt3A_251 : vector<16xi32>
      tpu.vector_store_idx %arg5[%broadcast_in_dim3A_77, %broadcast_in_dim3A_78, %add3A_249], %broadcast_in_dim3A_5 masked %lt3A_252 : memref<1x26x1000xf32, #tpu.memory_space<vmem>>[vector<16xi32>, vector<16xi32>, vector<16xi32>], vector<16xf32>, vector<16xi1>
      %add3A_253 = arith.constant 464 : i32
      %add3A_254 = vector.broadcast %add3A_253 : i32 to vector<16xi32>
      %add3A_255 = arith.addi %add3A_254, %iota3A : vector<16xi32>
      %lt3A_256 = arith.constant 1000 : i32
      %lt3A_257 = vector.broadcast %lt3A_256 : i32 to vector<16xi32>
      %lt3A_258 = arith.cmpi slt, %add3A_255, %lt3A_257 : vector<16xi32>
      tpu.vector_store_idx %arg5[%broadcast_in_dim3A_77, %broadcast_in_dim3A_78, %add3A_255], %broadcast_in_dim3A_5 masked %lt3A_258 : memref<1x26x1000xf32, #tpu.memory_space<vmem>>[vector<16xi32>, vector<16xi32>, vector<16xi32>], vector<16xf32>, vector<16xi1>
      %add3A_259 = arith.constant 480 : i32
      %add3A_260 = vector.broadcast %add3A_259 : i32 to vector<16xi32>
      %add3A_261 = arith.addi %add3A_260, %iota3A : vector<16xi32>
      %lt3A_262 = arith.constant 1000 : i32
      %lt3A_263 = vector.broadcast %lt3A_262 : i32 to vector<16xi32>
      %lt3A_264 = arith.cmpi slt, %add3A_261, %lt3A_263 : vector<16xi32>
      tpu.vector_store_idx %arg5[%broadcast_in_dim3A_77, %broadcast_in_dim3A_78, %add3A_261], %broadcast_in_dim3A_5 masked %lt3A_264 : memref<1x26x1000xf32, #tpu.memory_space<vmem>>[vector<16xi32>, vector<16xi32>, vector<16xi32>], vector<16xf32>, vector<16xi1>
      %add3A_265 = arith.constant 496 : i32
      %add3A_266 = vector.broadcast %add3A_265 : i32 to vector<16xi32>
      %add3A_267 = arith.addi %add3A_266, %iota3A : vector<16xi32>
      %lt3A_268 = arith.constant 1000 : i32
      %lt3A_269 = vector.broadcast %lt3A_268 : i32 to vector<16xi32>
      %lt3A_270 = arith.cmpi slt, %add3A_267, %lt3A_269 : vector<16xi32>
      tpu.vector_store_idx %arg5[%broadcast_in_dim3A_77, %broadcast_in_dim3A_78, %add3A_267], %broadcast_in_dim3A_5 masked %lt3A_270 : memref<1x26x1000xf32, #tpu.memory_space<vmem>>[vector<16xi32>, vector<16xi32>, vector<16xi32>], vector<16xf32>, vector<16xi1>
      %add3A_271 = arith.constant 512 : i32
      %add3A_272 = vector.broadcast %add3A_271 : i32 to vector<16xi32>
      %add3A_273 = arith.addi %add3A_272, %iota3A : vector<16xi32>
      %lt3A_274 = arith.constant 1000 : i32
      %lt3A_275 = vector.broadcast %lt3A_274 : i32 to vector<16xi32>
      %lt3A_276 = arith.cmpi slt, %add3A_273, %lt3A_275 : vector<16xi32>
      tpu.vector_store_idx %arg5[%broadcast_in_dim3A_77, %broadcast_in_dim3A_78, %add3A_273], %broadcast_in_dim3A_5 masked %lt3A_276 : memref<1x26x1000xf32, #tpu.memory_space<vmem>>[vector<16xi32>, vector<16xi32>, vector<16xi32>], vector<16xf32>, vector<16xi1>
      %add3A_277 = arith.constant 528 : i32
      %add3A_278 = vector.broadcast %add3A_277 : i32 to vector<16xi32>
      %add3A_279 = arith.addi %add3A_278, %iota3A : vector<16xi32>
      %lt3A_280 = arith.constant 1000 : i32
      %lt3A_281 = vector.broadcast %lt3A_280 : i32 to vector<16xi32>
      %lt3A_282 = arith.cmpi slt, %add3A_279, %lt3A_281 : vector<16xi32>
      tpu.vector_store_idx %arg5[%broadcast_in_dim3A_77, %broadcast_in_dim3A_78, %add3A_279], %broadcast_in_dim3A_5 masked %lt3A_282 : memref<1x26x1000xf32, #tpu.memory_space<vmem>>[vector<16xi32>, vector<16xi32>, vector<16xi32>], vector<16xf32>, vector<16xi1>
      %add3A_283 = arith.constant 544 : i32
      %add3A_284 = vector.broadcast %add3A_283 : i32 to vector<16xi32>
      %add3A_285 = arith.addi %add3A_284, %iota3A : vector<16xi32>
      %lt3A_286 = arith.constant 1000 : i32
      %lt3A_287 = vector.broadcast %lt3A_286 : i32 to vector<16xi32>
      %lt3A_288 = arith.cmpi slt, %add3A_285, %lt3A_287 : vector<16xi32>
      tpu.vector_store_idx %arg5[%broadcast_in_dim3A_77, %broadcast_in_dim3A_78, %add3A_285], %broadcast_in_dim3A_5 masked %lt3A_288 : memref<1x26x1000xf32, #tpu.memory_space<vmem>>[vector<16xi32>, vector<16xi32>, vector<16xi32>], vector<16xf32>, vector<16xi1>
      %add3A_289 = arith.constant 560 : i32
      %add3A_290 = vector.broadcast %add3A_289 : i32 to vector<16xi32>
      %add3A_291 = arith.addi %add3A_290, %iota3A : vector<16xi32>
      %lt3A_292 = arith.constant 1000 : i32
      %lt3A_293 = vector.broadcast %lt3A_292 : i32 to vector<16xi32>
      %lt3A_294 = arith.cmpi slt, %add3A_291, %lt3A_293 : vector<16xi32>
      tpu.vector_store_idx %arg5[%broadcast_in_dim3A_77, %broadcast_in_dim3A_78, %add3A_291], %broadcast_in_dim3A_5 masked %lt3A_294 : memref<1x26x1000xf32, #tpu.memory_space<vmem>>[vector<16xi32>, vector<16xi32>, vector<16xi32>], vector<16xf32>, vector<16xi1>
      %add3A_295 = arith.constant 576 : i32
      %add3A_296 = vector.broadcast %add3A_295 : i32 to vector<16xi32>
      %add3A_297 = arith.addi %add3A_296, %iota3A : vector<16xi32>
      %lt3A_298 = arith.constant 1000 : i32
      %lt3A_299 = vector.broadcast %lt3A_298 : i32 to vector<16xi32>
      %lt3A_300 = arith.cmpi slt, %add3A_297, %lt3A_299 : vector<16xi32>
      tpu.vector_store_idx %arg5[%broadcast_in_dim3A_77, %broadcast_in_dim3A_78, %add3A_297], %broadcast_in_dim3A_5 masked %lt3A_300 : memref<1x26x1000xf32, #tpu.memory_space<vmem>>[vector<16xi32>, vector<16xi32>, vector<16xi32>], vector<16xf32>, vector<16xi1>
      %add3A_301 = arith.constant 592 : i32
      %add3A_302 = vector.broadcast %add3A_301 : i32 to vector<16xi32>
      %add3A_303 = arith.addi %add3A_302, %iota3A : vector<16xi32>
      %lt3A_304 = arith.constant 1000 : i32
      %lt3A_305 = vector.broadcast %lt3A_304 : i32 to vector<16xi32>
      %lt3A_306 = arith.cmpi slt, %add3A_303, %lt3A_305 : vector<16xi32>
      tpu.vector_store_idx %arg5[%broadcast_in_dim3A_77, %broadcast_in_dim3A_78, %add3A_303], %broadcast_in_dim3A_5 masked %lt3A_306 : memref<1x26x1000xf32, #tpu.memory_space<vmem>>[vector<16xi32>, vector<16xi32>, vector<16xi32>], vector<16xf32>, vector<16xi1>
      %add3A_307 = arith.constant 608 : i32
      %add3A_308 = vector.broadcast %add3A_307 : i32 to vector<16xi32>
      %add3A_309 = arith.addi %add3A_308, %iota3A : vector<16xi32>
      %lt3A_310 = arith.constant 1000 : i32
      %lt3A_311 = vector.broadcast %lt3A_310 : i32 to vector<16xi32>
      %lt3A_312 = arith.cmpi slt, %add3A_309, %lt3A_311 : vector<16xi32>
      tpu.vector_store_idx %arg5[%broadcast_in_dim3A_77, %broadcast_in_dim3A_78, %add3A_309], %broadcast_in_dim3A_5 masked %lt3A_312 : memref<1x26x1000xf32, #tpu.memory_space<vmem>>[vector<16xi32>, vector<16xi32>, vector<16xi32>], vector<16xf32>, vector<16xi1>
      %add3A_313 = arith.constant 624 : i32
      %add3A_314 = vector.broadcast %add3A_313 : i32 to vector<16xi32>
      %add3A_315 = arith.addi %add3A_314, %iota3A : vector<16xi32>
      %lt3A_316 = arith.constant 1000 : i32
      %lt3A_317 = vector.broadcast %lt3A_316 : i32 to vector<16xi32>
      %lt3A_318 = arith.cmpi slt, %add3A_315, %lt3A_317 : vector<16xi32>
      tpu.vector_store_idx %arg5[%broadcast_in_dim3A_77, %broadcast_in_dim3A_78, %add3A_315], %broadcast_in_dim3A_5 masked %lt3A_318 : memref<1x26x1000xf32, #tpu.memory_space<vmem>>[vector<16xi32>, vector<16xi32>, vector<16xi32>], vector<16xf32>, vector<16xi1>
      %add3A_319 = arith.constant 640 : i32
      %add3A_320 = vector.broadcast %add3A_319 : i32 to vector<16xi32>
      %add3A_321 = arith.addi %add3A_320, %iota3A : vector<16xi32>
      %lt3A_322 = arith.constant 1000 : i32
      %lt3A_323 = vector.broadcast %lt3A_322 : i32 to vector<16xi32>
      %lt3A_324 = arith.cmpi slt, %add3A_321, %lt3A_323 : vector<16xi32>
      tpu.vector_store_idx %arg5[%broadcast_in_dim3A_77, %broadcast_in_dim3A_78, %add3A_321], %broadcast_in_dim3A_5 masked %lt3A_324 : memref<1x26x1000xf32, #tpu.memory_space<vmem>>[vector<16xi32>, vector<16xi32>, vector<16xi32>], vector<16xf32>, vector<16xi1>
      %add3A_325 = arith.constant 656 : i32
      %add3A_326 = vector.broadcast %add3A_325 : i32 to vector<16xi32>
      %add3A_327 = arith.addi %add3A_326, %iota3A : vector<16xi32>
      %lt3A_328 = arith.constant 1000 : i32
      %lt3A_329 = vector.broadcast %lt3A_328 : i32 to vector<16xi32>
      %lt3A_330 = arith.cmpi slt, %add3A_327, %lt3A_329 : vector<16xi32>
      tpu.vector_store_idx %arg5[%broadcast_in_dim3A_77, %broadcast_in_dim3A_78, %add3A_327], %broadcast_in_dim3A_5 masked %lt3A_330 : memref<1x26x1000xf32, #tpu.memory_space<vmem>>[vector<16xi32>, vector<16xi32>, vector<16xi32>], vector<16xf32>, vector<16xi1>
      %add3A_331 = arith.constant 672 : i32
      %add3A_332 = vector.broadcast %add3A_331 : i32 to vector<16xi32>
      %add3A_333 = arith.addi %add3A_332, %iota3A : vector<16xi32>
      %lt3A_334 = arith.constant 1000 : i32
      %lt3A_335 = vector.broadcast %lt3A_334 : i32 to vector<16xi32>
      %lt3A_336 = arith.cmpi slt, %add3A_333, %lt3A_335 : vector<16xi32>
      tpu.vector_store_idx %arg5[%broadcast_in_dim3A_77, %broadcast_in_dim3A_78, %add3A_333], %broadcast_in_dim3A_5 masked %lt3A_336 : memref<1x26x1000xf32, #tpu.memory_space<vmem>>[vector<16xi32>, vector<16xi32>, vector<16xi32>], vector<16xf32>, vector<16xi1>
      %add3A_337 = arith.constant 688 : i32
      %add3A_338 = vector.broadcast %add3A_337 : i32 to vector<16xi32>
      %add3A_339 = arith.addi %add3A_338, %iota3A : vector<16xi32>
      %lt3A_340 = arith.constant 1000 : i32
      %lt3A_341 = vector.broadcast %lt3A_340 : i32 to vector<16xi32>
      %lt3A_342 = arith.cmpi slt, %add3A_339, %lt3A_341 : vector<16xi32>
      tpu.vector_store_idx %arg5[%broadcast_in_dim3A_77, %broadcast_in_dim3A_78, %add3A_339], %broadcast_in_dim3A_5 masked %lt3A_342 : memref<1x26x1000xf32, #tpu.memory_space<vmem>>[vector<16xi32>, vector<16xi32>, vector<16xi32>], vector<16xf32>, vector<16xi1>
      %add3A_343 = arith.constant 704 : i32
      %add3A_344 = vector.broadcast %add3A_343 : i32 to vector<16xi32>
      %add3A_345 = arith.addi %add3A_344, %iota3A : vector<16xi32>
      %lt3A_346 = arith.constant 1000 : i32
      %lt3A_347 = vector.broadcast %lt3A_346 : i32 to vector<16xi32>
      %lt3A_348 = arith.cmpi slt, %add3A_345, %lt3A_347 : vector<16xi32>
      tpu.vector_store_idx %arg5[%broadcast_in_dim3A_77, %broadcast_in_dim3A_78, %add3A_345], %broadcast_in_dim3A_5 masked %lt3A_348 : memref<1x26x1000xf32, #tpu.memory_space<vmem>>[vector<16xi32>, vector<16xi32>, vector<16xi32>], vector<16xf32>, vector<16xi1>
      %add3A_349 = arith.constant 720 : i32
      %add3A_350 = vector.broadcast %add3A_349 : i32 to vector<16xi32>
      %add3A_351 = arith.addi %add3A_350, %iota3A : vector<16xi32>
      %lt3A_352 = arith.constant 1000 : i32
      %lt3A_353 = vector.broadcast %lt3A_352 : i32 to vector<16xi32>
      %lt3A_354 = arith.cmpi slt, %add3A_351, %lt3A_353 : vector<16xi32>
      tpu.vector_store_idx %arg5[%broadcast_in_dim3A_77, %broadcast_in_dim3A_78, %add3A_351], %broadcast_in_dim3A_5 masked %lt3A_354 : memref<1x26x1000xf32, #tpu.memory_space<vmem>>[vector<16xi32>, vector<16xi32>, vector<16xi32>], vector<16xf32>, vector<16xi1>
      %add3A_355 = arith.constant 736 : i32
      %add3A_356 = vector.broadcast %add3A_355 : i32 to vector<16xi32>
      %add3A_357 = arith.addi %add3A_356, %iota3A : vector<16xi32>
      %lt3A_358 = arith.constant 1000 : i32
      %lt3A_359 = vector.broadcast %lt3A_358 : i32 to vector<16xi32>
      %lt3A_360 = arith.cmpi slt, %add3A_357, %lt3A_359 : vector<16xi32>
      tpu.vector_store_idx %arg5[%broadcast_in_dim3A_77, %broadcast_in_dim3A_78, %add3A_357], %broadcast_in_dim3A_5 masked %lt3A_360 : memref<1x26x1000xf32, #tpu.memory_space<vmem>>[vector<16xi32>, vector<16xi32>, vector<16xi32>], vector<16xf32>, vector<16xi1>
      %add3A_361 = arith.constant 752 : i32
      %add3A_362 = vector.broadcast %add3A_361 : i32 to vector<16xi32>
      %add3A_363 = arith.addi %add3A_362, %iota3A : vector<16xi32>
      %lt3A_364 = arith.constant 1000 : i32
      %lt3A_365 = vector.broadcast %lt3A_364 : i32 to vector<16xi32>
      %lt3A_366 = arith.cmpi slt, %add3A_363, %lt3A_365 : vector<16xi32>
      tpu.vector_store_idx %arg5[%broadcast_in_dim3A_77, %broadcast_in_dim3A_78, %add3A_363], %broadcast_in_dim3A_5 masked %lt3A_366 : memref<1x26x1000xf32, #tpu.memory_space<vmem>>[vector<16xi32>, vector<16xi32>, vector<16xi32>], vector<16xf32>, vector<16xi1>
      %add3A_367 = arith.constant 768 : i32
      %add3A_368 = vector.broadcast %add3A_367 : i32 to vector<16xi32>
      %add3A_369 = arith.addi %add3A_368, %iota3A : vector<16xi32>
      %lt3A_370 = arith.constant 1000 : i32
      %lt3A_371 = vector.broadcast %lt3A_370 : i32 to vector<16xi32>
      %lt3A_372 = arith.cmpi slt, %add3A_369, %lt3A_371 : vector<16xi32>
      tpu.vector_store_idx %arg5[%broadcast_in_dim3A_77, %broadcast_in_dim3A_78, %add3A_369], %broadcast_in_dim3A_5 masked %lt3A_372 : memref<1x26x1000xf32, #tpu.memory_space<vmem>>[vector<16xi32>, vector<16xi32>, vector<16xi32>], vector<16xf32>, vector<16xi1>
      %add3A_373 = arith.constant 784 : i32
      %add3A_374 = vector.broadcast %add3A_373 : i32 to vector<16xi32>
      %add3A_375 = arith.addi %add3A_374, %iota3A : vector<16xi32>
      %lt3A_376 = arith.constant 1000 : i32
      %lt3A_377 = vector.broadcast %lt3A_376 : i32 to vector<16xi32>
      %lt3A_378 = arith.cmpi slt, %add3A_375, %lt3A_377 : vector<16xi32>
      tpu.vector_store_idx %arg5[%broadcast_in_dim3A_77, %broadcast_in_dim3A_78, %add3A_375], %broadcast_in_dim3A_5 masked %lt3A_378 : memref<1x26x1000xf32, #tpu.memory_space<vmem>>[vector<16xi32>, vector<16xi32>, vector<16xi32>], vector<16xf32>, vector<16xi1>
      %add3A_379 = arith.constant 800 : i32
      %add3A_380 = vector.broadcast %add3A_379 : i32 to vector<16xi32>
      %add3A_381 = arith.addi %add3A_380, %iota3A : vector<16xi32>
      %lt3A_382 = arith.constant 1000 : i32
      %lt3A_383 = vector.broadcast %lt3A_382 : i32 to vector<16xi32>
      %lt3A_384 = arith.cmpi slt, %add3A_381, %lt3A_383 : vector<16xi32>
      tpu.vector_store_idx %arg5[%broadcast_in_dim3A_77, %broadcast_in_dim3A_78, %add3A_381], %broadcast_in_dim3A_5 masked %lt3A_384 : memref<1x26x1000xf32, #tpu.memory_space<vmem>>[vector<16xi32>, vector<16xi32>, vector<16xi32>], vector<16xf32>, vector<16xi1>
      %add3A_385 = arith.constant 816 : i32
      %add3A_386 = vector.broadcast %add3A_385 : i32 to vector<16xi32>
      %add3A_387 = arith.addi %add3A_386, %iota3A : vector<16xi32>
      %lt3A_388 = arith.constant 1000 : i32
      %lt3A_389 = vector.broadcast %lt3A_388 : i32 to vector<16xi32>
      %lt3A_390 = arith.cmpi slt, %add3A_387, %lt3A_389 : vector<16xi32>
      tpu.vector_store_idx %arg5[%broadcast_in_dim3A_77, %broadcast_in_dim3A_78, %add3A_387], %broadcast_in_dim3A_5 masked %lt3A_390 : memref<1x26x1000xf32, #tpu.memory_space<vmem>>[vector<16xi32>, vector<16xi32>, vector<16xi32>], vector<16xf32>, vector<16xi1>
      %add3A_391 = arith.constant 832 : i32
      %add3A_392 = vector.broadcast %add3A_391 : i32 to vector<16xi32>
      %add3A_393 = arith.addi %add3A_392, %iota3A : vector<16xi32>
      %lt3A_394 = arith.constant 1000 : i32
      %lt3A_395 = vector.broadcast %lt3A_394 : i32 to vector<16xi32>
      %lt3A_396 = arith.cmpi slt, %add3A_393, %lt3A_395 : vector<16xi32>
      tpu.vector_store_idx %arg5[%broadcast_in_dim3A_77, %broadcast_in_dim3A_78, %add3A_393], %broadcast_in_dim3A_5 masked %lt3A_396 : memref<1x26x1000xf32, #tpu.memory_space<vmem>>[vector<16xi32>, vector<16xi32>, vector<16xi32>], vector<16xf32>, vector<16xi1>
      %add3A_397 = arith.constant 848 : i32
      %add3A_398 = vector.broadcast %add3A_397 : i32 to vector<16xi32>
      %add3A_399 = arith.addi %add3A_398, %iota3A : vector<16xi32>
      %lt3A_400 = arith.constant 1000 : i32
      %lt3A_401 = vector.broadcast %lt3A_400 : i32 to vector<16xi32>
      %lt3A_402 = arith.cmpi slt, %add3A_399, %lt3A_401 : vector<16xi32>
      tpu.vector_store_idx %arg5[%broadcast_in_dim3A_77, %broadcast_in_dim3A_78, %add3A_399], %broadcast_in_dim3A_5 masked %lt3A_402 : memref<1x26x1000xf32, #tpu.memory_space<vmem>>[vector<16xi32>, vector<16xi32>, vector<16xi32>], vector<16xf32>, vector<16xi1>
      %add3A_403 = arith.constant 864 : i32
      %add3A_404 = vector.broadcast %add3A_403 : i32 to vector<16xi32>
      %add3A_405 = arith.addi %add3A_404, %iota3A : vector<16xi32>
      %lt3A_406 = arith.constant 1000 : i32
      %lt3A_407 = vector.broadcast %lt3A_406 : i32 to vector<16xi32>
      %lt3A_408 = arith.cmpi slt, %add3A_405, %lt3A_407 : vector<16xi32>
      tpu.vector_store_idx %arg5[%broadcast_in_dim3A_77, %broadcast_in_dim3A_78, %add3A_405], %broadcast_in_dim3A_5 masked %lt3A_408 : memref<1x26x1000xf32, #tpu.memory_space<vmem>>[vector<16xi32>, vector<16xi32>, vector<16xi32>], vector<16xf32>, vector<16xi1>
      %add3A_409 = arith.constant 880 : i32
      %add3A_410 = vector.broadcast %add3A_409 : i32 to vector<16xi32>
      %add3A_411 = arith.addi %add3A_410, %iota3A : vector<16xi32>
      %lt3A_412 = arith.constant 1000 : i32
      %lt3A_413 = vector.broadcast %lt3A_412 : i32 to vector<16xi32>
      %lt3A_414 = arith.cmpi slt, %add3A_411, %lt3A_413 : vector<16xi32>
      tpu.vector_store_idx %arg5[%broadcast_in_dim3A_77, %broadcast_in_dim3A_78, %add3A_411], %broadcast_in_dim3A_5 masked %lt3A_414 : memref<1x26x1000xf32, #tpu.memory_space<vmem>>[vector<16xi32>, vector<16xi32>, vector<16xi32>], vector<16xf32>, vector<16xi1>
      %add3A_415 = arith.constant 896 : i32
      %add3A_416 = vector.broadcast %add3A_415 : i32 to vector<16xi32>
      %add3A_417 = arith.addi %add3A_416, %iota3A : vector<16xi32>
      %lt3A_418 = arith.constant 1000 : i32
      %lt3A_419 = vector.broadcast %lt3A_418 : i32 to vector<16xi32>
      %lt3A_420 = arith.cmpi slt, %add3A_417, %lt3A_419 : vector<16xi32>
      tpu.vector_store_idx %arg5[%broadcast_in_dim3A_77, %broadcast_in_dim3A_78, %add3A_417], %broadcast_in_dim3A_5 masked %lt3A_420 : memref<1x26x1000xf32, #tpu.memory_space<vmem>>[vector<16xi32>, vector<16xi32>, vector<16xi32>], vector<16xf32>, vector<16xi1>
      %add3A_421 = arith.constant 912 : i32
      %add3A_422 = vector.broadcast %add3A_421 : i32 to vector<16xi32>
      %add3A_423 = arith.addi %add3A_422, %iota3A : vector<16xi32>
      %lt3A_424 = arith.constant 1000 : i32
      %lt3A_425 = vector.broadcast %lt3A_424 : i32 to vector<16xi32>
      %lt3A_426 = arith.cmpi slt, %add3A_423, %lt3A_425 : vector<16xi32>
      tpu.vector_store_idx %arg5[%broadcast_in_dim3A_77, %broadcast_in_dim3A_78, %add3A_423], %broadcast_in_dim3A_5 masked %lt3A_426 : memref<1x26x1000xf32, #tpu.memory_space<vmem>>[vector<16xi32>, vector<16xi32>, vector<16xi32>], vector<16xf32>, vector<16xi1>
      %add3A_427 = arith.constant 928 : i32
      %add3A_428 = vector.broadcast %add3A_427 : i32 to vector<16xi32>
      %add3A_429 = arith.addi %add3A_428, %iota3A : vector<16xi32>
      %lt3A_430 = arith.constant 1000 : i32
      %lt3A_431 = vector.broadcast %lt3A_430 : i32 to vector<16xi32>
      %lt3A_432 = arith.cmpi slt, %add3A_429, %lt3A_431 : vector<16xi32>
      tpu.vector_store_idx %arg5[%broadcast_in_dim3A_77, %broadcast_in_dim3A_78, %add3A_429], %broadcast_in_dim3A_5 masked %lt3A_432 : memref<1x26x1000xf32, #tpu.memory_space<vmem>>[vector<16xi32>, vector<16xi32>, vector<16xi32>], vector<16xf32>, vector<16xi1>
      %add3A_433 = arith.constant 944 : i32
      %add3A_434 = vector.broadcast %add3A_433 : i32 to vector<16xi32>
      %add3A_435 = arith.addi %add3A_434, %iota3A : vector<16xi32>
      %lt3A_436 = arith.constant 1000 : i32
      %lt3A_437 = vector.broadcast %lt3A_436 : i32 to vector<16xi32>
      %lt3A_438 = arith.cmpi slt, %add3A_435, %lt3A_437 : vector<16xi32>
      tpu.vector_store_idx %arg5[%broadcast_in_dim3A_77, %broadcast_in_dim3A_78, %add3A_435], %broadcast_in_dim3A_5 masked %lt3A_438 : memref<1x26x1000xf32, #tpu.memory_space<vmem>>[vector<16xi32>, vector<16xi32>, vector<16xi32>], vector<16xf32>, vector<16xi1>
      %add3A_439 = arith.constant 960 : i32
      %add3A_440 = vector.broadcast %add3A_439 : i32 to vector<16xi32>
      %add3A_441 = arith.addi %add3A_440, %iota3A : vector<16xi32>
      %lt3A_442 = arith.constant 1000 : i32
      %lt3A_443 = vector.broadcast %lt3A_442 : i32 to vector<16xi32>
      %lt3A_444 = arith.cmpi slt, %add3A_441, %lt3A_443 : vector<16xi32>
      tpu.vector_store_idx %arg5[%broadcast_in_dim3A_77, %broadcast_in_dim3A_78, %add3A_441], %broadcast_in_dim3A_5 masked %lt3A_444 : memref<1x26x1000xf32, #tpu.memory_space<vmem>>[vector<16xi32>, vector<16xi32>, vector<16xi32>], vector<16xf32>, vector<16xi1>
      %add3A_445 = arith.constant 976 : i32
      %add3A_446 = vector.broadcast %add3A_445 : i32 to vector<16xi32>
      %add3A_447 = arith.addi %add3A_446, %iota3A : vector<16xi32>
      %lt3A_448 = arith.constant 1000 : i32
      %lt3A_449 = vector.broadcast %lt3A_448 : i32 to vector<16xi32>
      %lt3A_450 = arith.cmpi slt, %add3A_447, %lt3A_449 : vector<16xi32>
      tpu.vector_store_idx %arg5[%broadcast_in_dim3A_77, %broadcast_in_dim3A_78, %add3A_447], %broadcast_in_dim3A_5 masked %lt3A_450 : memref<1x26x1000xf32, #tpu.memory_space<vmem>>[vector<16xi32>, vector<16xi32>, vector<16xi32>], vector<16xf32>, vector<16xi1>
      %add3A_451 = arith.constant 992 : i32
      %add3A_452 = vector.broadcast %add3A_451 : i32 to vector<16xi32>
      %add3A_453 = arith.addi %add3A_452, %iota3A : vector<16xi32>
      %lt3A_454 = arith.constant 1000 : i32
      %lt3A_455 = vector.broadcast %lt3A_454 : i32 to vector<16xi32>
      %lt3A_456 = arith.cmpi slt, %add3A_453, %lt3A_455 : vector<16xi32>
      tpu.vector_store_idx %arg5[%broadcast_in_dim3A_77, %broadcast_in_dim3A_78, %add3A_453], %broadcast_in_dim3A_5 masked %lt3A_456 : memref<1x26x1000xf32, #tpu.memory_space<vmem>>[vector<16xi32>, vector<16xi32>, vector<16xi32>], vector<16xf32>, vector<16xi1>
      %scan3A_457 = arith.constant 0 : i32
      scf.yield %scan3A_457 : i32
    }
    %scan3A_13 = arith.constant 26 : i32
    %scan3A_14 = arith.constant 0 : i32
    %scan3A_15 = arith.constant 0 : i32
    %scan3A_16 = arith.constant 26 : i32
    %scan3A_17 = arith.addi %scan3A_15, %scan3A_16 : i32
    %scan3A_18 = arith.constant 1 : i32
    %scan3A_19 = scf.for %scan3A_45 = %scan3A_15 to %scan3A_17 step %scan3A_18 iter_args(%scan3A_46 = %scan3A_14) -> (i32)  : i32 {
      %jit3A = arith.constant 26 : i32
      %div3A = arith.divsi %scan3A_45, %jit3A : i32
      %sign3A = arith.constant 0 : i32
      %sign3A_47 = arith.cmpi sgt, %scan3A_45, %sign3A : i32
      %sign3A_48 = arith.extui %sign3A_47 : i1 to i32
      %sign3A_49 = arith.constant 0 : i32
      %sign3A_50 = arith.cmpi slt, %scan3A_45, %sign3A_49 : i32
      %sign3A_51 = arith.extui %sign3A_50 : i1 to i32
      %sign3A_52 = arith.subi %sign3A_48, %sign3A_51 : i32
      %sign3A_53 = arith.constant 0 : i32
      %sign3A_54 = arith.cmpi sgt, %jit3A, %sign3A_53 : i32
      %sign3A_55 = arith.extui %sign3A_54 : i1 to i32
      %sign3A_56 = arith.constant 0 : i32
      %sign3A_57 = arith.cmpi slt, %jit3A, %sign3A_56 : i32
      %sign3A_58 = arith.extui %sign3A_57 : i1 to i32
      %sign3A_59 = arith.subi %sign3A_55, %sign3A_58 : i32
      %ne3A = arith.cmpi ne, %sign3A_52, %sign3A_59 : i32
      %rem3A = arith.remsi %scan3A_45, %jit3A : i32
      %ne3A_60 = arith.constant 0 : i32
      %ne3A_61 = arith.cmpi ne, %rem3A, %ne3A_60 : i32
      %and3A = arith.andi %ne3A, %ne3A_61 : i1
      %sub3A = arith.constant 1 : i32
      %sub3A_62 = arith.subi %div3A, %sub3A : i32
      %select_n3A = arith.select %and3A, %sub3A_62, %div3A : i32
      %jit3A_63 = arith.constant 26 : i32
      %eq3A = arith.constant 0 : i32
      %eq3A_64 = arith.cmpi eq, %jit3A_63, %eq3A : i32
      %jit3A_65 = arith.constant 1 : i32
      %select_n3A_66 = arith.select %eq3A_64, %jit3A_65, %jit3A_63 : i32
      %rem3A_67 = arith.remsi %scan3A_45, %select_n3A_66 : i32
      %ne3A_68 = arith.constant 0 : i32
      %ne3A_69 = arith.cmpi ne, %rem3A_67, %ne3A_68 : i32
      %lt3A = arith.constant 0 : i32
      %lt3A_70 = arith.cmpi slt, %rem3A_67, %lt3A : i32
      %lt3A_71 = arith.constant 0 : i32
      %lt3A_72 = arith.cmpi slt, %select_n3A_66, %lt3A_71 : i32
      %ne3A_73 = arith.xori %lt3A_70, %lt3A_72 : i1
      %and3A_74 = arith.andi %ne3A_73, %ne3A_69 : i1
      %add3A_75 = arith.addi %rem3A_67, %select_n3A_66 : i32
      %select_n3A_76 = arith.select %and3A_74, %add3A_75, %rem3A_67 : i32
      %broadcast_in_dim3A_77 = vector.broadcast %select_n3A : i32 to vector<16xi32>
      %broadcast_in_dim3A_78 = vector.broadcast %select_n3A_76 : i32 to vector<16xi32>
      %add3A_79 = arith.constant 0 : i32
      %add3A_80 = vector.broadcast %add3A_79 : i32 to vector<16xi32>
      %add3A_81 = arith.addi %add3A_80, %iota3A : vector<16xi32>
      %lt3A_82 = arith.constant 1000 : i32
      %lt3A_83 = vector.broadcast %lt3A_82 : i32 to vector<16xi32>
      %lt3A_84 = arith.cmpi slt, %add3A_81, %lt3A_83 : vector<16xi32>
      tpu.vector_store_idx %arg6[%broadcast_in_dim3A_77, %broadcast_in_dim3A_78, %add3A_81], %broadcast_in_dim3A_5 masked %lt3A_84 : memref<1x26x1000xf32, #tpu.memory_space<vmem>>[vector<16xi32>, vector<16xi32>, vector<16xi32>], vector<16xf32>, vector<16xi1>
      %add3A_85 = arith.constant 16 : i32
      %add3A_86 = vector.broadcast %add3A_85 : i32 to vector<16xi32>
      %add3A_87 = arith.addi %add3A_86, %iota3A : vector<16xi32>
      %lt3A_88 = arith.constant 1000 : i32
      %lt3A_89 = vector.broadcast %lt3A_88 : i32 to vector<16xi32>
      %lt3A_90 = arith.cmpi slt, %add3A_87, %lt3A_89 : vector<16xi32>
      tpu.vector_store_idx %arg6[%broadcast_in_dim3A_77, %broadcast_in_dim3A_78, %add3A_87], %broadcast_in_dim3A_5 masked %lt3A_90 : memref<1x26x1000xf32, #tpu.memory_space<vmem>>[vector<16xi32>, vector<16xi32>, vector<16xi32>], vector<16xf32>, vector<16xi1>
      %add3A_91 = arith.constant 32 : i32
      %add3A_92 = vector.broadcast %add3A_91 : i32 to vector<16xi32>
      %add3A_93 = arith.addi %add3A_92, %iota3A : vector<16xi32>
      %lt3A_94 = arith.constant 1000 : i32
      %lt3A_95 = vector.broadcast %lt3A_94 : i32 to vector<16xi32>
      %lt3A_96 = arith.cmpi slt, %add3A_93, %lt3A_95 : vector<16xi32>
      tpu.vector_store_idx %arg6[%broadcast_in_dim3A_77, %broadcast_in_dim3A_78, %add3A_93], %broadcast_in_dim3A_5 masked %lt3A_96 : memref<1x26x1000xf32, #tpu.memory_space<vmem>>[vector<16xi32>, vector<16xi32>, vector<16xi32>], vector<16xf32>, vector<16xi1>
      %add3A_97 = arith.constant 48 : i32
      %add3A_98 = vector.broadcast %add3A_97 : i32 to vector<16xi32>
      %add3A_99 = arith.addi %add3A_98, %iota3A : vector<16xi32>
      %lt3A_100 = arith.constant 1000 : i32
      %lt3A_101 = vector.broadcast %lt3A_100 : i32 to vector<16xi32>
      %lt3A_102 = arith.cmpi slt, %add3A_99, %lt3A_101 : vector<16xi32>
      tpu.vector_store_idx %arg6[%broadcast_in_dim3A_77, %broadcast_in_dim3A_78, %add3A_99], %broadcast_in_dim3A_5 masked %lt3A_102 : memref<1x26x1000xf32, #tpu.memory_space<vmem>>[vector<16xi32>, vector<16xi32>, vector<16xi32>], vector<16xf32>, vector<16xi1>
      %add3A_103 = arith.constant 64 : i32
      %add3A_104 = vector.broadcast %add3A_103 : i32 to vector<16xi32>
      %add3A_105 = arith.addi %add3A_104, %iota3A : vector<16xi32>
      %lt3A_106 = arith.constant 1000 : i32
      %lt3A_107 = vector.broadcast %lt3A_106 : i32 to vector<16xi32>
      %lt3A_108 = arith.cmpi slt, %add3A_105, %lt3A_107 : vector<16xi32>
      tpu.vector_store_idx %arg6[%broadcast_in_dim3A_77, %broadcast_in_dim3A_78, %add3A_105], %broadcast_in_dim3A_5 masked %lt3A_108 : memref<1x26x1000xf32, #tpu.memory_space<vmem>>[vector<16xi32>, vector<16xi32>, vector<16xi32>], vector<16xf32>, vector<16xi1>
      %add3A_109 = arith.constant 80 : i32
      %add3A_110 = vector.broadcast %add3A_109 : i32 to vector<16xi32>
      %add3A_111 = arith.addi %add3A_110, %iota3A : vector<16xi32>
      %lt3A_112 = arith.constant 1000 : i32
      %lt3A_113 = vector.broadcast %lt3A_112 : i32 to vector<16xi32>
      %lt3A_114 = arith.cmpi slt, %add3A_111, %lt3A_113 : vector<16xi32>
      tpu.vector_store_idx %arg6[%broadcast_in_dim3A_77, %broadcast_in_dim3A_78, %add3A_111], %broadcast_in_dim3A_5 masked %lt3A_114 : memref<1x26x1000xf32, #tpu.memory_space<vmem>>[vector<16xi32>, vector<16xi32>, vector<16xi32>], vector<16xf32>, vector<16xi1>
      %add3A_115 = arith.constant 96 : i32
      %add3A_116 = vector.broadcast %add3A_115 : i32 to vector<16xi32>
      %add3A_117 = arith.addi %add3A_116, %iota3A : vector<16xi32>
      %lt3A_118 = arith.constant 1000 : i32
      %lt3A_119 = vector.broadcast %lt3A_118 : i32 to vector<16xi32>
      %lt3A_120 = arith.cmpi slt, %add3A_117, %lt3A_119 : vector<16xi32>
      tpu.vector_store_idx %arg6[%broadcast_in_dim3A_77, %broadcast_in_dim3A_78, %add3A_117], %broadcast_in_dim3A_5 masked %lt3A_120 : memref<1x26x1000xf32, #tpu.memory_space<vmem>>[vector<16xi32>, vector<16xi32>, vector<16xi32>], vector<16xf32>, vector<16xi1>
      %add3A_121 = arith.constant 112 : i32
      %add3A_122 = vector.broadcast %add3A_121 : i32 to vector<16xi32>
      %add3A_123 = arith.addi %add3A_122, %iota3A : vector<16xi32>
      %lt3A_124 = arith.constant 1000 : i32
      %lt3A_125 = vector.broadcast %lt3A_124 : i32 to vector<16xi32>
      %lt3A_126 = arith.cmpi slt, %add3A_123, %lt3A_125 : vector<16xi32>
      tpu.vector_store_idx %arg6[%broadcast_in_dim3A_77, %broadcast_in_dim3A_78, %add3A_123], %broadcast_in_dim3A_5 masked %lt3A_126 : memref<1x26x1000xf32, #tpu.memory_space<vmem>>[vector<16xi32>, vector<16xi32>, vector<16xi32>], vector<16xf32>, vector<16xi1>
      %add3A_127 = arith.constant 128 : i32
      %add3A_128 = vector.broadcast %add3A_127 : i32 to vector<16xi32>
      %add3A_129 = arith.addi %add3A_128, %iota3A : vector<16xi32>
      %lt3A_130 = arith.constant 1000 : i32
      %lt3A_131 = vector.broadcast %lt3A_130 : i32 to vector<16xi32>
      %lt3A_132 = arith.cmpi slt, %add3A_129, %lt3A_131 : vector<16xi32>
      tpu.vector_store_idx %arg6[%broadcast_in_dim3A_77, %broadcast_in_dim3A_78, %add3A_129], %broadcast_in_dim3A_5 masked %lt3A_132 : memref<1x26x1000xf32, #tpu.memory_space<vmem>>[vector<16xi32>, vector<16xi32>, vector<16xi32>], vector<16xf32>, vector<16xi1>
      %add3A_133 = arith.constant 144 : i32
      %add3A_134 = vector.broadcast %add3A_133 : i32 to vector<16xi32>
      %add3A_135 = arith.addi %add3A_134, %iota3A : vector<16xi32>
      %lt3A_136 = arith.constant 1000 : i32
      %lt3A_137 = vector.broadcast %lt3A_136 : i32 to vector<16xi32>
      %lt3A_138 = arith.cmpi slt, %add3A_135, %lt3A_137 : vector<16xi32>
      tpu.vector_store_idx %arg6[%broadcast_in_dim3A_77, %broadcast_in_dim3A_78, %add3A_135], %broadcast_in_dim3A_5 masked %lt3A_138 : memref<1x26x1000xf32, #tpu.memory_space<vmem>>[vector<16xi32>, vector<16xi32>, vector<16xi32>], vector<16xf32>, vector<16xi1>
      %add3A_139 = arith.constant 160 : i32
      %add3A_140 = vector.broadcast %add3A_139 : i32 to vector<16xi32>
      %add3A_141 = arith.addi %add3A_140, %iota3A : vector<16xi32>
      %lt3A_142 = arith.constant 1000 : i32
      %lt3A_143 = vector.broadcast %lt3A_142 : i32 to vector<16xi32>
      %lt3A_144 = arith.cmpi slt, %add3A_141, %lt3A_143 : vector<16xi32>
      tpu.vector_store_idx %arg6[%broadcast_in_dim3A_77, %broadcast_in_dim3A_78, %add3A_141], %broadcast_in_dim3A_5 masked %lt3A_144 : memref<1x26x1000xf32, #tpu.memory_space<vmem>>[vector<16xi32>, vector<16xi32>, vector<16xi32>], vector<16xf32>, vector<16xi1>
      %add3A_145 = arith.constant 176 : i32
      %add3A_146 = vector.broadcast %add3A_145 : i32 to vector<16xi32>
      %add3A_147 = arith.addi %add3A_146, %iota3A : vector<16xi32>
      %lt3A_148 = arith.constant 1000 : i32
      %lt3A_149 = vector.broadcast %lt3A_148 : i32 to vector<16xi32>
      %lt3A_150 = arith.cmpi slt, %add3A_147, %lt3A_149 : vector<16xi32>
      tpu.vector_store_idx %arg6[%broadcast_in_dim3A_77, %broadcast_in_dim3A_78, %add3A_147], %broadcast_in_dim3A_5 masked %lt3A_150 : memref<1x26x1000xf32, #tpu.memory_space<vmem>>[vector<16xi32>, vector<16xi32>, vector<16xi32>], vector<16xf32>, vector<16xi1>
      %add3A_151 = arith.constant 192 : i32
      %add3A_152 = vector.broadcast %add3A_151 : i32 to vector<16xi32>
      %add3A_153 = arith.addi %add3A_152, %iota3A : vector<16xi32>
      %lt3A_154 = arith.constant 1000 : i32
      %lt3A_155 = vector.broadcast %lt3A_154 : i32 to vector<16xi32>
      %lt3A_156 = arith.cmpi slt, %add3A_153, %lt3A_155 : vector<16xi32>
      tpu.vector_store_idx %arg6[%broadcast_in_dim3A_77, %broadcast_in_dim3A_78, %add3A_153], %broadcast_in_dim3A_5 masked %lt3A_156 : memref<1x26x1000xf32, #tpu.memory_space<vmem>>[vector<16xi32>, vector<16xi32>, vector<16xi32>], vector<16xf32>, vector<16xi1>
      %add3A_157 = arith.constant 208 : i32
      %add3A_158 = vector.broadcast %add3A_157 : i32 to vector<16xi32>
      %add3A_159 = arith.addi %add3A_158, %iota3A : vector<16xi32>
      %lt3A_160 = arith.constant 1000 : i32
      %lt3A_161 = vector.broadcast %lt3A_160 : i32 to vector<16xi32>
      %lt3A_162 = arith.cmpi slt, %add3A_159, %lt3A_161 : vector<16xi32>
      tpu.vector_store_idx %arg6[%broadcast_in_dim3A_77, %broadcast_in_dim3A_78, %add3A_159], %broadcast_in_dim3A_5 masked %lt3A_162 : memref<1x26x1000xf32, #tpu.memory_space<vmem>>[vector<16xi32>, vector<16xi32>, vector<16xi32>], vector<16xf32>, vector<16xi1>
      %add3A_163 = arith.constant 224 : i32
      %add3A_164 = vector.broadcast %add3A_163 : i32 to vector<16xi32>
      %add3A_165 = arith.addi %add3A_164, %iota3A : vector<16xi32>
      %lt3A_166 = arith.constant 1000 : i32
      %lt3A_167 = vector.broadcast %lt3A_166 : i32 to vector<16xi32>
      %lt3A_168 = arith.cmpi slt, %add3A_165, %lt3A_167 : vector<16xi32>
      tpu.vector_store_idx %arg6[%broadcast_in_dim3A_77, %broadcast_in_dim3A_78, %add3A_165], %broadcast_in_dim3A_5 masked %lt3A_168 : memref<1x26x1000xf32, #tpu.memory_space<vmem>>[vector<16xi32>, vector<16xi32>, vector<16xi32>], vector<16xf32>, vector<16xi1>
      %add3A_169 = arith.constant 240 : i32
      %add3A_170 = vector.broadcast %add3A_169 : i32 to vector<16xi32>
      %add3A_171 = arith.addi %add3A_170, %iota3A : vector<16xi32>
      %lt3A_172 = arith.constant 1000 : i32
      %lt3A_173 = vector.broadcast %lt3A_172 : i32 to vector<16xi32>
      %lt3A_174 = arith.cmpi slt, %add3A_171, %lt3A_173 : vector<16xi32>
      tpu.vector_store_idx %arg6[%broadcast_in_dim3A_77, %broadcast_in_dim3A_78, %add3A_171], %broadcast_in_dim3A_5 masked %lt3A_174 : memref<1x26x1000xf32, #tpu.memory_space<vmem>>[vector<16xi32>, vector<16xi32>, vector<16xi32>], vector<16xf32>, vector<16xi1>
      %add3A_175 = arith.constant 256 : i32
      %add3A_176 = vector.broadcast %add3A_175 : i32 to vector<16xi32>
      %add3A_177 = arith.addi %add3A_176, %iota3A : vector<16xi32>
      %lt3A_178 = arith.constant 1000 : i32
      %lt3A_179 = vector.broadcast %lt3A_178 : i32 to vector<16xi32>
      %lt3A_180 = arith.cmpi slt, %add3A_177, %lt3A_179 : vector<16xi32>
      tpu.vector_store_idx %arg6[%broadcast_in_dim3A_77, %broadcast_in_dim3A_78, %add3A_177], %broadcast_in_dim3A_5 masked %lt3A_180 : memref<1x26x1000xf32, #tpu.memory_space<vmem>>[vector<16xi32>, vector<16xi32>, vector<16xi32>], vector<16xf32>, vector<16xi1>
      %add3A_181 = arith.constant 272 : i32
      %add3A_182 = vector.broadcast %add3A_181 : i32 to vector<16xi32>
      %add3A_183 = arith.addi %add3A_182, %iota3A : vector<16xi32>
      %lt3A_184 = arith.constant 1000 : i32
      %lt3A_185 = vector.broadcast %lt3A_184 : i32 to vector<16xi32>
      %lt3A_186 = arith.cmpi slt, %add3A_183, %lt3A_185 : vector<16xi32>
      tpu.vector_store_idx %arg6[%broadcast_in_dim3A_77, %broadcast_in_dim3A_78, %add3A_183], %broadcast_in_dim3A_5 masked %lt3A_186 : memref<1x26x1000xf32, #tpu.memory_space<vmem>>[vector<16xi32>, vector<16xi32>, vector<16xi32>], vector<16xf32>, vector<16xi1>
      %add3A_187 = arith.constant 288 : i32
      %add3A_188 = vector.broadcast %add3A_187 : i32 to vector<16xi32>
      %add3A_189 = arith.addi %add3A_188, %iota3A : vector<16xi32>
      %lt3A_190 = arith.constant 1000 : i32
      %lt3A_191 = vector.broadcast %lt3A_190 : i32 to vector<16xi32>
      %lt3A_192 = arith.cmpi slt, %add3A_189, %lt3A_191 : vector<16xi32>
      tpu.vector_store_idx %arg6[%broadcast_in_dim3A_77, %broadcast_in_dim3A_78, %add3A_189], %broadcast_in_dim3A_5 masked %lt3A_192 : memref<1x26x1000xf32, #tpu.memory_space<vmem>>[vector<16xi32>, vector<16xi32>, vector<16xi32>], vector<16xf32>, vector<16xi1>
      %add3A_193 = arith.constant 304 : i32
      %add3A_194 = vector.broadcast %add3A_193 : i32 to vector<16xi32>
      %add3A_195 = arith.addi %add3A_194, %iota3A : vector<16xi32>
      %lt3A_196 = arith.constant 1000 : i32
      %lt3A_197 = vector.broadcast %lt3A_196 : i32 to vector<16xi32>
      %lt3A_198 = arith.cmpi slt, %add3A_195, %lt3A_197 : vector<16xi32>
      tpu.vector_store_idx %arg6[%broadcast_in_dim3A_77, %broadcast_in_dim3A_78, %add3A_195], %broadcast_in_dim3A_5 masked %lt3A_198 : memref<1x26x1000xf32, #tpu.memory_space<vmem>>[vector<16xi32>, vector<16xi32>, vector<16xi32>], vector<16xf32>, vector<16xi1>
      %add3A_199 = arith.constant 320 : i32
      %add3A_200 = vector.broadcast %add3A_199 : i32 to vector<16xi32>
      %add3A_201 = arith.addi %add3A_200, %iota3A : vector<16xi32>
      %lt3A_202 = arith.constant 1000 : i32
      %lt3A_203 = vector.broadcast %lt3A_202 : i32 to vector<16xi32>
      %lt3A_204 = arith.cmpi slt, %add3A_201, %lt3A_203 : vector<16xi32>
      tpu.vector_store_idx %arg6[%broadcast_in_dim3A_77, %broadcast_in_dim3A_78, %add3A_201], %broadcast_in_dim3A_5 masked %lt3A_204 : memref<1x26x1000xf32, #tpu.memory_space<vmem>>[vector<16xi32>, vector<16xi32>, vector<16xi32>], vector<16xf32>, vector<16xi1>
      %add3A_205 = arith.constant 336 : i32
      %add3A_206 = vector.broadcast %add3A_205 : i32 to vector<16xi32>
      %add3A_207 = arith.addi %add3A_206, %iota3A : vector<16xi32>
      %lt3A_208 = arith.constant 1000 : i32
      %lt3A_209 = vector.broadcast %lt3A_208 : i32 to vector<16xi32>
      %lt3A_210 = arith.cmpi slt, %add3A_207, %lt3A_209 : vector<16xi32>
      tpu.vector_store_idx %arg6[%broadcast_in_dim3A_77, %broadcast_in_dim3A_78, %add3A_207], %broadcast_in_dim3A_5 masked %lt3A_210 : memref<1x26x1000xf32, #tpu.memory_space<vmem>>[vector<16xi32>, vector<16xi32>, vector<16xi32>], vector<16xf32>, vector<16xi1>
      %add3A_211 = arith.constant 352 : i32
      %add3A_212 = vector.broadcast %add3A_211 : i32 to vector<16xi32>
      %add3A_213 = arith.addi %add3A_212, %iota3A : vector<16xi32>
      %lt3A_214 = arith.constant 1000 : i32
      %lt3A_215 = vector.broadcast %lt3A_214 : i32 to vector<16xi32>
      %lt3A_216 = arith.cmpi slt, %add3A_213, %lt3A_215 : vector<16xi32>
      tpu.vector_store_idx %arg6[%broadcast_in_dim3A_77, %broadcast_in_dim3A_78, %add3A_213], %broadcast_in_dim3A_5 masked %lt3A_216 : memref<1x26x1000xf32, #tpu.memory_space<vmem>>[vector<16xi32>, vector<16xi32>, vector<16xi32>], vector<16xf32>, vector<16xi1>
      %add3A_217 = arith.constant 368 : i32
      %add3A_218 = vector.broadcast %add3A_217 : i32 to vector<16xi32>
      %add3A_219 = arith.addi %add3A_218, %iota3A : vector<16xi32>
      %lt3A_220 = arith.constant 1000 : i32
      %lt3A_221 = vector.broadcast %lt3A_220 : i32 to vector<16xi32>
      %lt3A_222 = arith.cmpi slt, %add3A_219, %lt3A_221 : vector<16xi32>
      tpu.vector_store_idx %arg6[%broadcast_in_dim3A_77, %broadcast_in_dim3A_78, %add3A_219], %broadcast_in_dim3A_5 masked %lt3A_222 : memref<1x26x1000xf32, #tpu.memory_space<vmem>>[vector<16xi32>, vector<16xi32>, vector<16xi32>], vector<16xf32>, vector<16xi1>
      %add3A_223 = arith.constant 384 : i32
      %add3A_224 = vector.broadcast %add3A_223 : i32 to vector<16xi32>
      %add3A_225 = arith.addi %add3A_224, %iota3A : vector<16xi32>
      %lt3A_226 = arith.constant 1000 : i32
      %lt3A_227 = vector.broadcast %lt3A_226 : i32 to vector<16xi32>
      %lt3A_228 = arith.cmpi slt, %add3A_225, %lt3A_227 : vector<16xi32>
      tpu.vector_store_idx %arg6[%broadcast_in_dim3A_77, %broadcast_in_dim3A_78, %add3A_225], %broadcast_in_dim3A_5 masked %lt3A_228 : memref<1x26x1000xf32, #tpu.memory_space<vmem>>[vector<16xi32>, vector<16xi32>, vector<16xi32>], vector<16xf32>, vector<16xi1>
      %add3A_229 = arith.constant 400 : i32
      %add3A_230 = vector.broadcast %add3A_229 : i32 to vector<16xi32>
      %add3A_231 = arith.addi %add3A_230, %iota3A : vector<16xi32>
      %lt3A_232 = arith.constant 1000 : i32
      %lt3A_233 = vector.broadcast %lt3A_232 : i32 to vector<16xi32>
      %lt3A_234 = arith.cmpi slt, %add3A_231, %lt3A_233 : vector<16xi32>
      tpu.vector_store_idx %arg6[%broadcast_in_dim3A_77, %broadcast_in_dim3A_78, %add3A_231], %broadcast_in_dim3A_5 masked %lt3A_234 : memref<1x26x1000xf32, #tpu.memory_space<vmem>>[vector<16xi32>, vector<16xi32>, vector<16xi32>], vector<16xf32>, vector<16xi1>
      %add3A_235 = arith.constant 416 : i32
      %add3A_236 = vector.broadcast %add3A_235 : i32 to vector<16xi32>
      %add3A_237 = arith.addi %add3A_236, %iota3A : vector<16xi32>
      %lt3A_238 = arith.constant 1000 : i32
      %lt3A_239 = vector.broadcast %lt3A_238 : i32 to vector<16xi32>
      %lt3A_240 = arith.cmpi slt, %add3A_237, %lt3A_239 : vector<16xi32>
      tpu.vector_store_idx %arg6[%broadcast_in_dim3A_77, %broadcast_in_dim3A_78, %add3A_237], %broadcast_in_dim3A_5 masked %lt3A_240 : memref<1x26x1000xf32, #tpu.memory_space<vmem>>[vector<16xi32>, vector<16xi32>, vector<16xi32>], vector<16xf32>, vector<16xi1>
      %add3A_241 = arith.constant 432 : i32
      %add3A_242 = vector.broadcast %add3A_241 : i32 to vector<16xi32>
      %add3A_243 = arith.addi %add3A_242, %iota3A : vector<16xi32>
      %lt3A_244 = arith.constant 1000 : i32
      %lt3A_245 = vector.broadcast %lt3A_244 : i32 to vector<16xi32>
      %lt3A_246 = arith.cmpi slt, %add3A_243, %lt3A_245 : vector<16xi32>
      tpu.vector_store_idx %arg6[%broadcast_in_dim3A_77, %broadcast_in_dim3A_78, %add3A_243], %broadcast_in_dim3A_5 masked %lt3A_246 : memref<1x26x1000xf32, #tpu.memory_space<vmem>>[vector<16xi32>, vector<16xi32>, vector<16xi32>], vector<16xf32>, vector<16xi1>
      %add3A_247 = arith.constant 448 : i32
      %add3A_248 = vector.broadcast %add3A_247 : i32 to vector<16xi32>
      %add3A_249 = arith.addi %add3A_248, %iota3A : vector<16xi32>
      %lt3A_250 = arith.constant 1000 : i32
      %lt3A_251 = vector.broadcast %lt3A_250 : i32 to vector<16xi32>
      %lt3A_252 = arith.cmpi slt, %add3A_249, %lt3A_251 : vector<16xi32>
      tpu.vector_store_idx %arg6[%broadcast_in_dim3A_77, %broadcast_in_dim3A_78, %add3A_249], %broadcast_in_dim3A_5 masked %lt3A_252 : memref<1x26x1000xf32, #tpu.memory_space<vmem>>[vector<16xi32>, vector<16xi32>, vector<16xi32>], vector<16xf32>, vector<16xi1>
      %add3A_253 = arith.constant 464 : i32
      %add3A_254 = vector.broadcast %add3A_253 : i32 to vector<16xi32>
      %add3A_255 = arith.addi %add3A_254, %iota3A : vector<16xi32>
      %lt3A_256 = arith.constant 1000 : i32
      %lt3A_257 = vector.broadcast %lt3A_256 : i32 to vector<16xi32>
      %lt3A_258 = arith.cmpi slt, %add3A_255, %lt3A_257 : vector<16xi32>
      tpu.vector_store_idx %arg6[%broadcast_in_dim3A_77, %broadcast_in_dim3A_78, %add3A_255], %broadcast_in_dim3A_5 masked %lt3A_258 : memref<1x26x1000xf32, #tpu.memory_space<vmem>>[vector<16xi32>, vector<16xi32>, vector<16xi32>], vector<16xf32>, vector<16xi1>
      %add3A_259 = arith.constant 480 : i32
      %add3A_260 = vector.broadcast %add3A_259 : i32 to vector<16xi32>
      %add3A_261 = arith.addi %add3A_260, %iota3A : vector<16xi32>
      %lt3A_262 = arith.constant 1000 : i32
      %lt3A_263 = vector.broadcast %lt3A_262 : i32 to vector<16xi32>
      %lt3A_264 = arith.cmpi slt, %add3A_261, %lt3A_263 : vector<16xi32>
      tpu.vector_store_idx %arg6[%broadcast_in_dim3A_77, %broadcast_in_dim3A_78, %add3A_261], %broadcast_in_dim3A_5 masked %lt3A_264 : memref<1x26x1000xf32, #tpu.memory_space<vmem>>[vector<16xi32>, vector<16xi32>, vector<16xi32>], vector<16xf32>, vector<16xi1>
      %add3A_265 = arith.constant 496 : i32
      %add3A_266 = vector.broadcast %add3A_265 : i32 to vector<16xi32>
      %add3A_267 = arith.addi %add3A_266, %iota3A : vector<16xi32>
      %lt3A_268 = arith.constant 1000 : i32
      %lt3A_269 = vector.broadcast %lt3A_268 : i32 to vector<16xi32>
      %lt3A_270 = arith.cmpi slt, %add3A_267, %lt3A_269 : vector<16xi32>
      tpu.vector_store_idx %arg6[%broadcast_in_dim3A_77, %broadcast_in_dim3A_78, %add3A_267], %broadcast_in_dim3A_5 masked %lt3A_270 : memref<1x26x1000xf32, #tpu.memory_space<vmem>>[vector<16xi32>, vector<16xi32>, vector<16xi32>], vector<16xf32>, vector<16xi1>
      %add3A_271 = arith.constant 512 : i32
      %add3A_272 = vector.broadcast %add3A_271 : i32 to vector<16xi32>
      %add3A_273 = arith.addi %add3A_272, %iota3A : vector<16xi32>
      %lt3A_274 = arith.constant 1000 : i32
      %lt3A_275 = vector.broadcast %lt3A_274 : i32 to vector<16xi32>
      %lt3A_276 = arith.cmpi slt, %add3A_273, %lt3A_275 : vector<16xi32>
      tpu.vector_store_idx %arg6[%broadcast_in_dim3A_77, %broadcast_in_dim3A_78, %add3A_273], %broadcast_in_dim3A_5 masked %lt3A_276 : memref<1x26x1000xf32, #tpu.memory_space<vmem>>[vector<16xi32>, vector<16xi32>, vector<16xi32>], vector<16xf32>, vector<16xi1>
      %add3A_277 = arith.constant 528 : i32
      %add3A_278 = vector.broadcast %add3A_277 : i32 to vector<16xi32>
      %add3A_279 = arith.addi %add3A_278, %iota3A : vector<16xi32>
      %lt3A_280 = arith.constant 1000 : i32
      %lt3A_281 = vector.broadcast %lt3A_280 : i32 to vector<16xi32>
      %lt3A_282 = arith.cmpi slt, %add3A_279, %lt3A_281 : vector<16xi32>
      tpu.vector_store_idx %arg6[%broadcast_in_dim3A_77, %broadcast_in_dim3A_78, %add3A_279], %broadcast_in_dim3A_5 masked %lt3A_282 : memref<1x26x1000xf32, #tpu.memory_space<vmem>>[vector<16xi32>, vector<16xi32>, vector<16xi32>], vector<16xf32>, vector<16xi1>
      %add3A_283 = arith.constant 544 : i32
      %add3A_284 = vector.broadcast %add3A_283 : i32 to vector<16xi32>
      %add3A_285 = arith.addi %add3A_284, %iota3A : vector<16xi32>
      %lt3A_286 = arith.constant 1000 : i32
      %lt3A_287 = vector.broadcast %lt3A_286 : i32 to vector<16xi32>
      %lt3A_288 = arith.cmpi slt, %add3A_285, %lt3A_287 : vector<16xi32>
      tpu.vector_store_idx %arg6[%broadcast_in_dim3A_77, %broadcast_in_dim3A_78, %add3A_285], %broadcast_in_dim3A_5 masked %lt3A_288 : memref<1x26x1000xf32, #tpu.memory_space<vmem>>[vector<16xi32>, vector<16xi32>, vector<16xi32>], vector<16xf32>, vector<16xi1>
      %add3A_289 = arith.constant 560 : i32
      %add3A_290 = vector.broadcast %add3A_289 : i32 to vector<16xi32>
      %add3A_291 = arith.addi %add3A_290, %iota3A : vector<16xi32>
      %lt3A_292 = arith.constant 1000 : i32
      %lt3A_293 = vector.broadcast %lt3A_292 : i32 to vector<16xi32>
      %lt3A_294 = arith.cmpi slt, %add3A_291, %lt3A_293 : vector<16xi32>
      tpu.vector_store_idx %arg6[%broadcast_in_dim3A_77, %broadcast_in_dim3A_78, %add3A_291], %broadcast_in_dim3A_5 masked %lt3A_294 : memref<1x26x1000xf32, #tpu.memory_space<vmem>>[vector<16xi32>, vector<16xi32>, vector<16xi32>], vector<16xf32>, vector<16xi1>
      %add3A_295 = arith.constant 576 : i32
      %add3A_296 = vector.broadcast %add3A_295 : i32 to vector<16xi32>
      %add3A_297 = arith.addi %add3A_296, %iota3A : vector<16xi32>
      %lt3A_298 = arith.constant 1000 : i32
      %lt3A_299 = vector.broadcast %lt3A_298 : i32 to vector<16xi32>
      %lt3A_300 = arith.cmpi slt, %add3A_297, %lt3A_299 : vector<16xi32>
      tpu.vector_store_idx %arg6[%broadcast_in_dim3A_77, %broadcast_in_dim3A_78, %add3A_297], %broadcast_in_dim3A_5 masked %lt3A_300 : memref<1x26x1000xf32, #tpu.memory_space<vmem>>[vector<16xi32>, vector<16xi32>, vector<16xi32>], vector<16xf32>, vector<16xi1>
      %add3A_301 = arith.constant 592 : i32
      %add3A_302 = vector.broadcast %add3A_301 : i32 to vector<16xi32>
      %add3A_303 = arith.addi %add3A_302, %iota3A : vector<16xi32>
      %lt3A_304 = arith.constant 1000 : i32
      %lt3A_305 = vector.broadcast %lt3A_304 : i32 to vector<16xi32>
      %lt3A_306 = arith.cmpi slt, %add3A_303, %lt3A_305 : vector<16xi32>
      tpu.vector_store_idx %arg6[%broadcast_in_dim3A_77, %broadcast_in_dim3A_78, %add3A_303], %broadcast_in_dim3A_5 masked %lt3A_306 : memref<1x26x1000xf32, #tpu.memory_space<vmem>>[vector<16xi32>, vector<16xi32>, vector<16xi32>], vector<16xf32>, vector<16xi1>
      %add3A_307 = arith.constant 608 : i32
      %add3A_308 = vector.broadcast %add3A_307 : i32 to vector<16xi32>
      %add3A_309 = arith.addi %add3A_308, %iota3A : vector<16xi32>
      %lt3A_310 = arith.constant 1000 : i32
      %lt3A_311 = vector.broadcast %lt3A_310 : i32 to vector<16xi32>
      %lt3A_312 = arith.cmpi slt, %add3A_309, %lt3A_311 : vector<16xi32>
      tpu.vector_store_idx %arg6[%broadcast_in_dim3A_77, %broadcast_in_dim3A_78, %add3A_309], %broadcast_in_dim3A_5 masked %lt3A_312 : memref<1x26x1000xf32, #tpu.memory_space<vmem>>[vector<16xi32>, vector<16xi32>, vector<16xi32>], vector<16xf32>, vector<16xi1>
      %add3A_313 = arith.constant 624 : i32
      %add3A_314 = vector.broadcast %add3A_313 : i32 to vector<16xi32>
      %add3A_315 = arith.addi %add3A_314, %iota3A : vector<16xi32>
      %lt3A_316 = arith.constant 1000 : i32
      %lt3A_317 = vector.broadcast %lt3A_316 : i32 to vector<16xi32>
      %lt3A_318 = arith.cmpi slt, %add3A_315, %lt3A_317 : vector<16xi32>
      tpu.vector_store_idx %arg6[%broadcast_in_dim3A_77, %broadcast_in_dim3A_78, %add3A_315], %broadcast_in_dim3A_5 masked %lt3A_318 : memref<1x26x1000xf32, #tpu.memory_space<vmem>>[vector<16xi32>, vector<16xi32>, vector<16xi32>], vector<16xf32>, vector<16xi1>
      %add3A_319 = arith.constant 640 : i32
      %add3A_320 = vector.broadcast %add3A_319 : i32 to vector<16xi32>
      %add3A_321 = arith.addi %add3A_320, %iota3A : vector<16xi32>
      %lt3A_322 = arith.constant 1000 : i32
      %lt3A_323 = vector.broadcast %lt3A_322 : i32 to vector<16xi32>
      %lt3A_324 = arith.cmpi slt, %add3A_321, %lt3A_323 : vector<16xi32>
      tpu.vector_store_idx %arg6[%broadcast_in_dim3A_77, %broadcast_in_dim3A_78, %add3A_321], %broadcast_in_dim3A_5 masked %lt3A_324 : memref<1x26x1000xf32, #tpu.memory_space<vmem>>[vector<16xi32>, vector<16xi32>, vector<16xi32>], vector<16xf32>, vector<16xi1>
      %add3A_325 = arith.constant 656 : i32
      %add3A_326 = vector.broadcast %add3A_325 : i32 to vector<16xi32>
      %add3A_327 = arith.addi %add3A_326, %iota3A : vector<16xi32>
      %lt3A_328 = arith.constant 1000 : i32
      %lt3A_329 = vector.broadcast %lt3A_328 : i32 to vector<16xi32>
      %lt3A_330 = arith.cmpi slt, %add3A_327, %lt3A_329 : vector<16xi32>
      tpu.vector_store_idx %arg6[%broadcast_in_dim3A_77, %broadcast_in_dim3A_78, %add3A_327], %broadcast_in_dim3A_5 masked %lt3A_330 : memref<1x26x1000xf32, #tpu.memory_space<vmem>>[vector<16xi32>, vector<16xi32>, vector<16xi32>], vector<16xf32>, vector<16xi1>
      %add3A_331 = arith.constant 672 : i32
      %add3A_332 = vector.broadcast %add3A_331 : i32 to vector<16xi32>
      %add3A_333 = arith.addi %add3A_332, %iota3A : vector<16xi32>
      %lt3A_334 = arith.constant 1000 : i32
      %lt3A_335 = vector.broadcast %lt3A_334 : i32 to vector<16xi32>
      %lt3A_336 = arith.cmpi slt, %add3A_333, %lt3A_335 : vector<16xi32>
      tpu.vector_store_idx %arg6[%broadcast_in_dim3A_77, %broadcast_in_dim3A_78, %add3A_333], %broadcast_in_dim3A_5 masked %lt3A_336 : memref<1x26x1000xf32, #tpu.memory_space<vmem>>[vector<16xi32>, vector<16xi32>, vector<16xi32>], vector<16xf32>, vector<16xi1>
      %add3A_337 = arith.constant 688 : i32
      %add3A_338 = vector.broadcast %add3A_337 : i32 to vector<16xi32>
      %add3A_339 = arith.addi %add3A_338, %iota3A : vector<16xi32>
      %lt3A_340 = arith.constant 1000 : i32
      %lt3A_341 = vector.broadcast %lt3A_340 : i32 to vector<16xi32>
      %lt3A_342 = arith.cmpi slt, %add3A_339, %lt3A_341 : vector<16xi32>
      tpu.vector_store_idx %arg6[%broadcast_in_dim3A_77, %broadcast_in_dim3A_78, %add3A_339], %broadcast_in_dim3A_5 masked %lt3A_342 : memref<1x26x1000xf32, #tpu.memory_space<vmem>>[vector<16xi32>, vector<16xi32>, vector<16xi32>], vector<16xf32>, vector<16xi1>
      %add3A_343 = arith.constant 704 : i32
      %add3A_344 = vector.broadcast %add3A_343 : i32 to vector<16xi32>
      %add3A_345 = arith.addi %add3A_344, %iota3A : vector<16xi32>
      %lt3A_346 = arith.constant 1000 : i32
      %lt3A_347 = vector.broadcast %lt3A_346 : i32 to vector<16xi32>
      %lt3A_348 = arith.cmpi slt, %add3A_345, %lt3A_347 : vector<16xi32>
      tpu.vector_store_idx %arg6[%broadcast_in_dim3A_77, %broadcast_in_dim3A_78, %add3A_345], %broadcast_in_dim3A_5 masked %lt3A_348 : memref<1x26x1000xf32, #tpu.memory_space<vmem>>[vector<16xi32>, vector<16xi32>, vector<16xi32>], vector<16xf32>, vector<16xi1>
      %add3A_349 = arith.constant 720 : i32
      %add3A_350 = vector.broadcast %add3A_349 : i32 to vector<16xi32>
      %add3A_351 = arith.addi %add3A_350, %iota3A : vector<16xi32>
      %lt3A_352 = arith.constant 1000 : i32
      %lt3A_353 = vector.broadcast %lt3A_352 : i32 to vector<16xi32>
      %lt3A_354 = arith.cmpi slt, %add3A_351, %lt3A_353 : vector<16xi32>
      tpu.vector_store_idx %arg6[%broadcast_in_dim3A_77, %broadcast_in_dim3A_78, %add3A_351], %broadcast_in_dim3A_5 masked %lt3A_354 : memref<1x26x1000xf32, #tpu.memory_space<vmem>>[vector<16xi32>, vector<16xi32>, vector<16xi32>], vector<16xf32>, vector<16xi1>
      %add3A_355 = arith.constant 736 : i32
      %add3A_356 = vector.broadcast %add3A_355 : i32 to vector<16xi32>
      %add3A_357 = arith.addi %add3A_356, %iota3A : vector<16xi32>
      %lt3A_358 = arith.constant 1000 : i32
      %lt3A_359 = vector.broadcast %lt3A_358 : i32 to vector<16xi32>
      %lt3A_360 = arith.cmpi slt, %add3A_357, %lt3A_359 : vector<16xi32>
      tpu.vector_store_idx %arg6[%broadcast_in_dim3A_77, %broadcast_in_dim3A_78, %add3A_357], %broadcast_in_dim3A_5 masked %lt3A_360 : memref<1x26x1000xf32, #tpu.memory_space<vmem>>[vector<16xi32>, vector<16xi32>, vector<16xi32>], vector<16xf32>, vector<16xi1>
      %add3A_361 = arith.constant 752 : i32
      %add3A_362 = vector.broadcast %add3A_361 : i32 to vector<16xi32>
      %add3A_363 = arith.addi %add3A_362, %iota3A : vector<16xi32>
      %lt3A_364 = arith.constant 1000 : i32
      %lt3A_365 = vector.broadcast %lt3A_364 : i32 to vector<16xi32>
      %lt3A_366 = arith.cmpi slt, %add3A_363, %lt3A_365 : vector<16xi32>
      tpu.vector_store_idx %arg6[%broadcast_in_dim3A_77, %broadcast_in_dim3A_78, %add3A_363], %broadcast_in_dim3A_5 masked %lt3A_366 : memref<1x26x1000xf32, #tpu.memory_space<vmem>>[vector<16xi32>, vector<16xi32>, vector<16xi32>], vector<16xf32>, vector<16xi1>
      %add3A_367 = arith.constant 768 : i32
      %add3A_368 = vector.broadcast %add3A_367 : i32 to vector<16xi32>
      %add3A_369 = arith.addi %add3A_368, %iota3A : vector<16xi32>
      %lt3A_370 = arith.constant 1000 : i32
      %lt3A_371 = vector.broadcast %lt3A_370 : i32 to vector<16xi32>
      %lt3A_372 = arith.cmpi slt, %add3A_369, %lt3A_371 : vector<16xi32>
      tpu.vector_store_idx %arg6[%broadcast_in_dim3A_77, %broadcast_in_dim3A_78, %add3A_369], %broadcast_in_dim3A_5 masked %lt3A_372 : memref<1x26x1000xf32, #tpu.memory_space<vmem>>[vector<16xi32>, vector<16xi32>, vector<16xi32>], vector<16xf32>, vector<16xi1>
      %add3A_373 = arith.constant 784 : i32
      %add3A_374 = vector.broadcast %add3A_373 : i32 to vector<16xi32>
      %add3A_375 = arith.addi %add3A_374, %iota3A : vector<16xi32>
      %lt3A_376 = arith.constant 1000 : i32
      %lt3A_377 = vector.broadcast %lt3A_376 : i32 to vector<16xi32>
      %lt3A_378 = arith.cmpi slt, %add3A_375, %lt3A_377 : vector<16xi32>
      tpu.vector_store_idx %arg6[%broadcast_in_dim3A_77, %broadcast_in_dim3A_78, %add3A_375], %broadcast_in_dim3A_5 masked %lt3A_378 : memref<1x26x1000xf32, #tpu.memory_space<vmem>>[vector<16xi32>, vector<16xi32>, vector<16xi32>], vector<16xf32>, vector<16xi1>
      %add3A_379 = arith.constant 800 : i32
      %add3A_380 = vector.broadcast %add3A_379 : i32 to vector<16xi32>
      %add3A_381 = arith.addi %add3A_380, %iota3A : vector<16xi32>
      %lt3A_382 = arith.constant 1000 : i32
      %lt3A_383 = vector.broadcast %lt3A_382 : i32 to vector<16xi32>
      %lt3A_384 = arith.cmpi slt, %add3A_381, %lt3A_383 : vector<16xi32>
      tpu.vector_store_idx %arg6[%broadcast_in_dim3A_77, %broadcast_in_dim3A_78, %add3A_381], %broadcast_in_dim3A_5 masked %lt3A_384 : memref<1x26x1000xf32, #tpu.memory_space<vmem>>[vector<16xi32>, vector<16xi32>, vector<16xi32>], vector<16xf32>, vector<16xi1>
      %add3A_385 = arith.constant 816 : i32
      %add3A_386 = vector.broadcast %add3A_385 : i32 to vector<16xi32>
      %add3A_387 = arith.addi %add3A_386, %iota3A : vector<16xi32>
      %lt3A_388 = arith.constant 1000 : i32
      %lt3A_389 = vector.broadcast %lt3A_388 : i32 to vector<16xi32>
      %lt3A_390 = arith.cmpi slt, %add3A_387, %lt3A_389 : vector<16xi32>
      tpu.vector_store_idx %arg6[%broadcast_in_dim3A_77, %broadcast_in_dim3A_78, %add3A_387], %broadcast_in_dim3A_5 masked %lt3A_390 : memref<1x26x1000xf32, #tpu.memory_space<vmem>>[vector<16xi32>, vector<16xi32>, vector<16xi32>], vector<16xf32>, vector<16xi1>
      %add3A_391 = arith.constant 832 : i32
      %add3A_392 = vector.broadcast %add3A_391 : i32 to vector<16xi32>
      %add3A_393 = arith.addi %add3A_392, %iota3A : vector<16xi32>
      %lt3A_394 = arith.constant 1000 : i32
      %lt3A_395 = vector.broadcast %lt3A_394 : i32 to vector<16xi32>
      %lt3A_396 = arith.cmpi slt, %add3A_393, %lt3A_395 : vector<16xi32>
      tpu.vector_store_idx %arg6[%broadcast_in_dim3A_77, %broadcast_in_dim3A_78, %add3A_393], %broadcast_in_dim3A_5 masked %lt3A_396 : memref<1x26x1000xf32, #tpu.memory_space<vmem>>[vector<16xi32>, vector<16xi32>, vector<16xi32>], vector<16xf32>, vector<16xi1>
      %add3A_397 = arith.constant 848 : i32
      %add3A_398 = vector.broadcast %add3A_397 : i32 to vector<16xi32>
      %add3A_399 = arith.addi %add3A_398, %iota3A : vector<16xi32>
      %lt3A_400 = arith.constant 1000 : i32
      %lt3A_401 = vector.broadcast %lt3A_400 : i32 to vector<16xi32>
      %lt3A_402 = arith.cmpi slt, %add3A_399, %lt3A_401 : vector<16xi32>
      tpu.vector_store_idx %arg6[%broadcast_in_dim3A_77, %broadcast_in_dim3A_78, %add3A_399], %broadcast_in_dim3A_5 masked %lt3A_402 : memref<1x26x1000xf32, #tpu.memory_space<vmem>>[vector<16xi32>, vector<16xi32>, vector<16xi32>], vector<16xf32>, vector<16xi1>
      %add3A_403 = arith.constant 864 : i32
      %add3A_404 = vector.broadcast %add3A_403 : i32 to vector<16xi32>
      %add3A_405 = arith.addi %add3A_404, %iota3A : vector<16xi32>
      %lt3A_406 = arith.constant 1000 : i32
      %lt3A_407 = vector.broadcast %lt3A_406 : i32 to vector<16xi32>
      %lt3A_408 = arith.cmpi slt, %add3A_405, %lt3A_407 : vector<16xi32>
      tpu.vector_store_idx %arg6[%broadcast_in_dim3A_77, %broadcast_in_dim3A_78, %add3A_405], %broadcast_in_dim3A_5 masked %lt3A_408 : memref<1x26x1000xf32, #tpu.memory_space<vmem>>[vector<16xi32>, vector<16xi32>, vector<16xi32>], vector<16xf32>, vector<16xi1>
      %add3A_409 = arith.constant 880 : i32
      %add3A_410 = vector.broadcast %add3A_409 : i32 to vector<16xi32>
      %add3A_411 = arith.addi %add3A_410, %iota3A : vector<16xi32>
      %lt3A_412 = arith.constant 1000 : i32
      %lt3A_413 = vector.broadcast %lt3A_412 : i32 to vector<16xi32>
      %lt3A_414 = arith.cmpi slt, %add3A_411, %lt3A_413 : vector<16xi32>
      tpu.vector_store_idx %arg6[%broadcast_in_dim3A_77, %broadcast_in_dim3A_78, %add3A_411], %broadcast_in_dim3A_5 masked %lt3A_414 : memref<1x26x1000xf32, #tpu.memory_space<vmem>>[vector<16xi32>, vector<16xi32>, vector<16xi32>], vector<16xf32>, vector<16xi1>
      %add3A_415 = arith.constant 896 : i32
      %add3A_416 = vector.broadcast %add3A_415 : i32 to vector<16xi32>
      %add3A_417 = arith.addi %add3A_416, %iota3A : vector<16xi32>
      %lt3A_418 = arith.constant 1000 : i32
      %lt3A_419 = vector.broadcast %lt3A_418 : i32 to vector<16xi32>
      %lt3A_420 = arith.cmpi slt, %add3A_417, %lt3A_419 : vector<16xi32>
      tpu.vector_store_idx %arg6[%broadcast_in_dim3A_77, %broadcast_in_dim3A_78, %add3A_417], %broadcast_in_dim3A_5 masked %lt3A_420 : memref<1x26x1000xf32, #tpu.memory_space<vmem>>[vector<16xi32>, vector<16xi32>, vector<16xi32>], vector<16xf32>, vector<16xi1>
      %add3A_421 = arith.constant 912 : i32
      %add3A_422 = vector.broadcast %add3A_421 : i32 to vector<16xi32>
      %add3A_423 = arith.addi %add3A_422, %iota3A : vector<16xi32>
      %lt3A_424 = arith.constant 1000 : i32
      %lt3A_425 = vector.broadcast %lt3A_424 : i32 to vector<16xi32>
      %lt3A_426 = arith.cmpi slt, %add3A_423, %lt3A_425 : vector<16xi32>
      tpu.vector_store_idx %arg6[%broadcast_in_dim3A_77, %broadcast_in_dim3A_78, %add3A_423], %broadcast_in_dim3A_5 masked %lt3A_426 : memref<1x26x1000xf32, #tpu.memory_space<vmem>>[vector<16xi32>, vector<16xi32>, vector<16xi32>], vector<16xf32>, vector<16xi1>
      %add3A_427 = arith.constant 928 : i32
      %add3A_428 = vector.broadcast %add3A_427 : i32 to vector<16xi32>
      %add3A_429 = arith.addi %add3A_428, %iota3A : vector<16xi32>
      %lt3A_430 = arith.constant 1000 : i32
      %lt3A_431 = vector.broadcast %lt3A_430 : i32 to vector<16xi32>
      %lt3A_432 = arith.cmpi slt, %add3A_429, %lt3A_431 : vector<16xi32>
      tpu.vector_store_idx %arg6[%broadcast_in_dim3A_77, %broadcast_in_dim3A_78, %add3A_429], %broadcast_in_dim3A_5 masked %lt3A_432 : memref<1x26x1000xf32, #tpu.memory_space<vmem>>[vector<16xi32>, vector<16xi32>, vector<16xi32>], vector<16xf32>, vector<16xi1>
      %add3A_433 = arith.constant 944 : i32
      %add3A_434 = vector.broadcast %add3A_433 : i32 to vector<16xi32>
      %add3A_435 = arith.addi %add3A_434, %iota3A : vector<16xi32>
      %lt3A_436 = arith.constant 1000 : i32
      %lt3A_437 = vector.broadcast %lt3A_436 : i32 to vector<16xi32>
      %lt3A_438 = arith.cmpi slt, %add3A_435, %lt3A_437 : vector<16xi32>
      tpu.vector_store_idx %arg6[%broadcast_in_dim3A_77, %broadcast_in_dim3A_78, %add3A_435], %broadcast_in_dim3A_5 masked %lt3A_438 : memref<1x26x1000xf32, #tpu.memory_space<vmem>>[vector<16xi32>, vector<16xi32>, vector<16xi32>], vector<16xf32>, vector<16xi1>
      %add3A_439 = arith.constant 960 : i32
      %add3A_440 = vector.broadcast %add3A_439 : i32 to vector<16xi32>
      %add3A_441 = arith.addi %add3A_440, %iota3A : vector<16xi32>
      %lt3A_442 = arith.constant 1000 : i32
      %lt3A_443 = vector.broadcast %lt3A_442 : i32 to vector<16xi32>
      %lt3A_444 = arith.cmpi slt, %add3A_441, %lt3A_443 : vector<16xi32>
      tpu.vector_store_idx %arg6[%broadcast_in_dim3A_77, %broadcast_in_dim3A_78, %add3A_441], %broadcast_in_dim3A_5 masked %lt3A_444 : memref<1x26x1000xf32, #tpu.memory_space<vmem>>[vector<16xi32>, vector<16xi32>, vector<16xi32>], vector<16xf32>, vector<16xi1>
      %add3A_445 = arith.constant 976 : i32
      %add3A_446 = vector.broadcast %add3A_445 : i32 to vector<16xi32>
      %add3A_447 = arith.addi %add3A_446, %iota3A : vector<16xi32>
      %lt3A_448 = arith.constant 1000 : i32
      %lt3A_449 = vector.broadcast %lt3A_448 : i32 to vector<16xi32>
      %lt3A_450 = arith.cmpi slt, %add3A_447, %lt3A_449 : vector<16xi32>
      tpu.vector_store_idx %arg6[%broadcast_in_dim3A_77, %broadcast_in_dim3A_78, %add3A_447], %broadcast_in_dim3A_5 masked %lt3A_450 : memref<1x26x1000xf32, #tpu.memory_space<vmem>>[vector<16xi32>, vector<16xi32>, vector<16xi32>], vector<16xf32>, vector<16xi1>
      %add3A_451 = arith.constant 992 : i32
      %add3A_452 = vector.broadcast %add3A_451 : i32 to vector<16xi32>
      %add3A_453 = arith.addi %add3A_452, %iota3A : vector<16xi32>
      %lt3A_454 = arith.constant 1000 : i32
      %lt3A_455 = vector.broadcast %lt3A_454 : i32 to vector<16xi32>
      %lt3A_456 = arith.cmpi slt, %add3A_453, %lt3A_455 : vector<16xi32>
      tpu.vector_store_idx %arg6[%broadcast_in_dim3A_77, %broadcast_in_dim3A_78, %add3A_453], %broadcast_in_dim3A_5 masked %lt3A_456 : memref<1x26x1000xf32, #tpu.memory_space<vmem>>[vector<16xi32>, vector<16xi32>, vector<16xi32>], vector<16xf32>, vector<16xi1>
      %scan3A_457 = arith.constant 0 : i32
      scf.yield %scan3A_457 : i32
    }
    %scan3A_20 = arith.constant 26 : i32
    %scan3A_21 = arith.constant 0 : i32
    %scan3A_22 = arith.constant 0 : i32
    %scan3A_23 = arith.constant 128 : i32
    %scan3A_24 = arith.addi %scan3A_22, %scan3A_23 : i32
    %scan3A_25 = arith.constant 1 : i32
    %scan3A_26 = scf.for %scan3A_45 = %scan3A_22 to %scan3A_24 step %scan3A_25 iter_args(%scan3A_46 = %scan3A_21) -> (i32)  : i32 {
      %rem3A = arith.constant 2 : i32
      %rem3A_47 = arith.remsi %scan3A_45, %rem3A : i32
      %eq3A = arith.constant 0 : i32
      %eq3A_48 = arith.cmpi eq, %rem3A_47, %eq3A : i32
      %convert_element_type3A = arith.extui %eq3A_48 : i1 to i32
      %cond3A = arith.constant 0 : i32
      %cond3A_49 = arith.cmpi ne, %convert_element_type3A, %cond3A : i32
      scf.if %cond3A_49 {
        %ge3A = arith.constant 2 : i32
        %ge3A_56 = arith.cmpi sge, %scan3A_45, %ge3A : i32
        %convert_element_type3A_57 = arith.extui %ge3A_56 : i1 to i32
        %cond3A_58 = arith.constant 0 : i32
        %cond3A_59 = arith.cmpi ne, %convert_element_type3A_57, %cond3A_58 : i32
        scf.if %cond3A_59 {
          %dma_wait3A_94 = arith.constant 0 : i32
          %dma_wait3A_95 = arith.constant 0 : i32
          %dma_wait3A_96 = arith.constant 0 : i32
          %dma_wait3A_97 = tpu.memref_slice %arg3[%mul3A_2, %dma_wait3A_95, %dma_wait3A_96] : memref<4096x26x1000xf32, #tpu.memory_space<hbm>> -> memref<1x26x1000xf32, #tpu.memory_space<hbm>>
          %dma_wait3A_98 = tpu.memref_slice %arg7[%dma_wait3A_94] : memref<2x!tpu.dma_semaphore, #tpu.memory_space<semaphore_mem>> -> memref<1x!tpu.dma_semaphore, #tpu.memory_space<semaphore_mem>>
          %dma_wait3A_99 = tpu.memref_squeeze %dma_wait3A_98 : memref<1x!tpu.dma_semaphore, #tpu.memory_space<semaphore_mem>> -> memref<!tpu.dma_semaphore, #tpu.memory_space<semaphore_mem>>
          %dma_wait3A_100 = arith.constant 0 : i32
          %dma_wait3A_101 = arith.constant 0 : i32
          %dma_wait3A_102 = tpu.memref_slice %arg3[%mul3A_2, %dma_wait3A_100, %dma_wait3A_101] : memref<4096x26x1000xf32, #tpu.memory_space<hbm>> -> memref<1x26x1000xf32, #tpu.memory_space<hbm>>
          tpu.wait_dma2 semaphore(%dma_wait3A_99 : memref<!tpu.dma_semaphore, #tpu.memory_space<semaphore_mem>>) src(%arg5 : memref<1x26x1000xf32, #tpu.memory_space<vmem>>) dst(%dma_wait3A_102 : memref<1x26x1000xf32, #tpu.memory_space<hbm>>)
          %sub3A = arith.constant 2 : i32
          %sub3A_103 = arith.subi %scan3A_45, %sub3A : i32
          %mul3A_104 = arith.constant 1 : i32
          %mul3A_105 = arith.muli %sub3A_103, %mul3A_104 : i32
          %add3A_106 = arith.constant 0 : i32
          %add3A_107 = arith.addi %mul3A_105, %add3A_106 : i32
          %broadcast_in_dim3A_108 = arith.constant 0 : i32
          %broadcast_in_dim3A_109 = vector.broadcast %broadcast_in_dim3A_108 : i32 to vector<16xi32>
          %mul3A_110 = arith.constant 26 : i32
          %mul3A_111 = arith.muli %add3A_107, %mul3A_110 : i32
          %add3A_112 = arith.constant 0 : i32
          %add3A_113 = arith.addi %mul3A_111, %add3A_112 : i32
          %get3A_114 = arith.index_cast %add3A_113 : i32 to index
          %get3A_115 = tpu.vector_load %arg4[%get3A_114] {strides = array<i32>} : memref<3328xi32, #tpu.memory_space<vmem>>, vector<16xi32>,
          %add3A_116 = arith.constant 0 : i32
          %add3A_117 = vector.broadcast %add3A_116 : i32 to vector<16xi32>
          %add3A_118 = arith.addi %add3A_117, %iota3A : vector<16xi32>
          tpu.vector_store_idx %arg5[%broadcast_in_dim3A_109, %add3A_118, %get3A_115], %broadcast_in_dim3A_5 : memref<1x26x1000xf32, #tpu.memory_space<vmem>>[vector<16xi32>, vector<16xi32>, vector<16xi32>], vector<16xf32>,
          %mul3A_119 = arith.constant 26 : i32
          %mul3A_120 = arith.muli %add3A_107, %mul3A_119 : i32
          %add3A_121 = arith.constant 10 : i32
          %add3A_122 = arith.addi %mul3A_120, %add3A_121 : i32
          %get3A_123 = arith.index_cast %add3A_122 : i32 to index
          %get3A_124 = tpu.vector_load %arg4[%get3A_123] {strides = array<i32>} : memref<3328xi32, #tpu.memory_space<vmem>>, vector<16xi32>,
          %add3A_125 = arith.constant 10 : i32
          %add3A_126 = vector.broadcast %add3A_125 : i32 to vector<16xi32>
          %add3A_127 = arith.addi %add3A_126, %iota3A : vector<16xi32>
          tpu.vector_store_idx %arg5[%broadcast_in_dim3A_109, %add3A_127, %get3A_124], %broadcast_in_dim3A_5 : memref<1x26x1000xf32, #tpu.memory_space<vmem>>[vector<16xi32>, vector<16xi32>, vector<16xi32>], vector<16xf32>,
        } else {
        }
        %mul3A_60 = arith.constant 1 : i32
        %mul3A_61 = arith.muli %scan3A_45, %mul3A_60 : i32
        %add3A_62 = arith.constant 0 : i32
        %add3A_63 = arith.addi %mul3A_61, %add3A_62 : i32
        %broadcast_in_dim3A_64 = arith.constant 0 : i32
        %broadcast_in_dim3A_65 = vector.broadcast %broadcast_in_dim3A_64 : i32 to vector<16xi32>
        %mul3A_66 = arith.constant 26 : i32
        %mul3A_67 = arith.muli %add3A_63, %mul3A_66 : i32
        %add3A_68 = arith.constant 0 : i32
        %add3A_69 = arith.addi %mul3A_67, %add3A_68 : i32
        %get3A = arith.index_cast %add3A_69 : i32 to index
        %get3A_70 = tpu.vector_load %arg4[%get3A] {strides = array<i32>} : memref<3328xi32, #tpu.memory_space<vmem>>, vector<16xi32>,
        %add3A_71 = arith.constant 0 : i32
        %add3A_72 = vector.broadcast %add3A_71 : i32 to vector<16xi32>
        %add3A_73 = arith.addi %add3A_72, %iota3A : vector<16xi32>
        tpu.vector_store_idx %arg5[%broadcast_in_dim3A_65, %add3A_73, %get3A_70], %broadcast_in_dim3A_3 : memref<1x26x1000xf32, #tpu.memory_space<vmem>>[vector<16xi32>, vector<16xi32>, vector<16xi32>], vector<16xf32>,
        %mul3A_74 = arith.constant 26 : i32
        %mul3A_75 = arith.muli %add3A_63, %mul3A_74 : i32
        %add3A_76 = arith.constant 10 : i32
        %add3A_77 = arith.addi %mul3A_75, %add3A_76 : i32
        %get3A_78 = arith.index_cast %add3A_77 : i32 to index
        %get3A_79 = tpu.vector_load %arg4[%get3A_78] {strides = array<i32>} : memref<3328xi32, #tpu.memory_space<vmem>>, vector<16xi32>,
        %add3A_80 = arith.constant 10 : i32
        %add3A_81 = vector.broadcast %add3A_80 : i32 to vector<16xi32>
        %add3A_82 = arith.addi %add3A_81, %iota3A : vector<16xi32>
        tpu.vector_store_idx %arg5[%broadcast_in_dim3A_65, %add3A_82, %get3A_79], %broadcast_in_dim3A_3 : memref<1x26x1000xf32, #tpu.memory_space<vmem>>[vector<16xi32>, vector<16xi32>, vector<16xi32>], vector<16xf32>,
        %mul3A_83 = arith.constant 1 : i32
        %mul3A_84 = arith.muli %scan3A_45, %mul3A_83 : i32
        %add3A_85 = arith.addi %mul3A_2, %mul3A_84 : i32
        %dma_start3A = arith.constant 0 : i32
        %dma_start3A_86 = arith.constant 0 : i32
        %dma_start3A_87 = arith.constant 0 : i32
        %dma_start3A_88 = tpu.memref_slice %arg3[%add3A_85, %dma_start3A_86, %dma_start3A_87] : memref<4096x26x1000xf32, #tpu.memory_space<hbm>> -> memref<1x26x1000xf32, #tpu.memory_space<hbm>>
        %dma_start3A_89 = tpu.memref_slice %arg7[%dma_start3A] : memref<2x!tpu.dma_semaphore, #tpu.memory_space<semaphore_mem>> -> memref<1x!tpu.dma_semaphore, #tpu.memory_space<semaphore_mem>>
        %dma_start3A_90 = tpu.memref_squeeze %dma_start3A_89 : memref<1x!tpu.dma_semaphore, #tpu.memory_space<semaphore_mem>> -> memref<!tpu.dma_semaphore, #tpu.memory_space<semaphore_mem>>
        %dma_start3A_91 = arith.constant 0 : i32
        %dma_start3A_92 = arith.constant 0 : i32
        %dma_start3A_93 = tpu.memref_slice %arg3[%add3A_85, %dma_start3A_91, %dma_start3A_92] : memref<4096x26x1000xf32, #tpu.memory_space<hbm>> -> memref<1x26x1000xf32, #tpu.memory_space<hbm>>
        tpu.enqueue_dma source(%arg5 : memref<1x26x1000xf32, #tpu.memory_space<vmem>>) target(%dma_start3A_93 : memref<1x26x1000xf32, #tpu.memory_space<hbm>>) target_semaphore(%dma_start3A_90 : memref<!tpu.dma_semaphore, #tpu.memory_space<semaphore_mem>>)
      } else {
      }
      %eq3A_50 = arith.constant 1 : i32
      %eq3A_51 = arith.cmpi eq, %rem3A_47, %eq3A_50 : i32
      %convert_element_type3A_52 = arith.extui %eq3A_51 : i1 to i32
      %cond3A_53 = arith.constant 0 : i32
      %cond3A_54 = arith.cmpi ne, %convert_element_type3A_52, %cond3A_53 : i32
      scf.if %cond3A_54 {
        %ge3A = arith.constant 2 : i32
        %ge3A_56 = arith.cmpi sge, %scan3A_45, %ge3A : i32
        %convert_element_type3A_57 = arith.extui %ge3A_56 : i1 to i32
        %cond3A_58 = arith.constant 0 : i32
        %cond3A_59 = arith.cmpi ne, %convert_element_type3A_57, %cond3A_58 : i32
        scf.if %cond3A_59 {
          %dma_wait3A_94 = arith.constant 1 : i32
          %dma_wait3A_95 = arith.constant 0 : i32
          %dma_wait3A_96 = arith.constant 0 : i32
          %dma_wait3A_97 = tpu.memref_slice %arg3[%mul3A_2, %dma_wait3A_95, %dma_wait3A_96] : memref<4096x26x1000xf32, #tpu.memory_space<hbm>> -> memref<1x26x1000xf32, #tpu.memory_space<hbm>>
          %dma_wait3A_98 = tpu.memref_slice %arg7[%dma_wait3A_94] : memref<2x!tpu.dma_semaphore, #tpu.memory_space<semaphore_mem>> -> memref<1x!tpu.dma_semaphore, #tpu.memory_space<semaphore_mem>>
          %dma_wait3A_99 = tpu.memref_squeeze %dma_wait3A_98 : memref<1x!tpu.dma_semaphore, #tpu.memory_space<semaphore_mem>> -> memref<!tpu.dma_semaphore, #tpu.memory_space<semaphore_mem>>
          %dma_wait3A_100 = arith.constant 0 : i32
          %dma_wait3A_101 = arith.constant 0 : i32
          %dma_wait3A_102 = tpu.memref_slice %arg3[%mul3A_2, %dma_wait3A_100, %dma_wait3A_101] : memref<4096x26x1000xf32, #tpu.memory_space<hbm>> -> memref<1x26x1000xf32, #tpu.memory_space<hbm>>
          tpu.wait_dma2 semaphore(%dma_wait3A_99 : memref<!tpu.dma_semaphore, #tpu.memory_space<semaphore_mem>>) src(%arg6 : memref<1x26x1000xf32, #tpu.memory_space<vmem>>) dst(%dma_wait3A_102 : memref<1x26x1000xf32, #tpu.memory_space<hbm>>)
          %sub3A = arith.constant 2 : i32
          %sub3A_103 = arith.subi %scan3A_45, %sub3A : i32
          %mul3A_104 = arith.constant 1 : i32
          %mul3A_105 = arith.muli %sub3A_103, %mul3A_104 : i32
          %add3A_106 = arith.constant 0 : i32
          %add3A_107 = arith.addi %mul3A_105, %add3A_106 : i32
          %broadcast_in_dim3A_108 = arith.constant 0 : i32
          %broadcast_in_dim3A_109 = vector.broadcast %broadcast_in_dim3A_108 : i32 to vector<16xi32>
          %mul3A_110 = arith.constant 26 : i32
          %mul3A_111 = arith.muli %add3A_107, %mul3A_110 : i32
          %add3A_112 = arith.constant 0 : i32
          %add3A_113 = arith.addi %mul3A_111, %add3A_112 : i32
          %get3A_114 = arith.index_cast %add3A_113 : i32 to index
          %get3A_115 = tpu.vector_load %arg4[%get3A_114] {strides = array<i32>} : memref<3328xi32, #tpu.memory_space<vmem>>, vector<16xi32>,
          %add3A_116 = arith.constant 0 : i32
          %add3A_117 = vector.broadcast %add3A_116 : i32 to vector<16xi32>
          %add3A_118 = arith.addi %add3A_117, %iota3A : vector<16xi32>
          tpu.vector_store_idx %arg6[%broadcast_in_dim3A_109, %add3A_118, %get3A_115], %broadcast_in_dim3A_5 : memref<1x26x1000xf32, #tpu.memory_space<vmem>>[vector<16xi32>, vector<16xi32>, vector<16xi32>], vector<16xf32>,
          %mul3A_119 = arith.constant 26 : i32
          %mul3A_120 = arith.muli %add3A_107, %mul3A_119 : i32
          %add3A_121 = arith.constant 10 : i32
          %add3A_122 = arith.addi %mul3A_120, %add3A_121 : i32
          %get3A_123 = arith.index_cast %add3A_122 : i32 to index
          %get3A_124 = tpu.vector_load %arg4[%get3A_123] {strides = array<i32>} : memref<3328xi32, #tpu.memory_space<vmem>>, vector<16xi32>,
          %add3A_125 = arith.constant 10 : i32
          %add3A_126 = vector.broadcast %add3A_125 : i32 to vector<16xi32>
          %add3A_127 = arith.addi %add3A_126, %iota3A : vector<16xi32>
          tpu.vector_store_idx %arg6[%broadcast_in_dim3A_109, %add3A_127, %get3A_124], %broadcast_in_dim3A_5 : memref<1x26x1000xf32, #tpu.memory_space<vmem>>[vector<16xi32>, vector<16xi32>, vector<16xi32>], vector<16xf32>,
        } else {
        }
        %mul3A_60 = arith.constant 1 : i32
        %mul3A_61 = arith.muli %scan3A_45, %mul3A_60 : i32
        %add3A_62 = arith.constant 0 : i32
        %add3A_63 = arith.addi %mul3A_61, %add3A_62 : i32
        %broadcast_in_dim3A_64 = arith.constant 0 : i32
        %broadcast_in_dim3A_65 = vector.broadcast %broadcast_in_dim3A_64 : i32 to vector<16xi32>
        %mul3A_66 = arith.constant 26 : i32
        %mul3A_67 = arith.muli %add3A_63, %mul3A_66 : i32
        %add3A_68 = arith.constant 0 : i32
        %add3A_69 = arith.addi %mul3A_67, %add3A_68 : i32
        %get3A = arith.index_cast %add3A_69 : i32 to index
        %get3A_70 = tpu.vector_load %arg4[%get3A] {strides = array<i32>} : memref<3328xi32, #tpu.memory_space<vmem>>, vector<16xi32>,
        %add3A_71 = arith.constant 0 : i32
        %add3A_72 = vector.broadcast %add3A_71 : i32 to vector<16xi32>
        %add3A_73 = arith.addi %add3A_72, %iota3A : vector<16xi32>
        tpu.vector_store_idx %arg6[%broadcast_in_dim3A_65, %add3A_73, %get3A_70], %broadcast_in_dim3A_3 : memref<1x26x1000xf32, #tpu.memory_space<vmem>>[vector<16xi32>, vector<16xi32>, vector<16xi32>], vector<16xf32>,
        %mul3A_74 = arith.constant 26 : i32
        %mul3A_75 = arith.muli %add3A_63, %mul3A_74 : i32
        %add3A_76 = arith.constant 10 : i32
        %add3A_77 = arith.addi %mul3A_75, %add3A_76 : i32
        %get3A_78 = arith.index_cast %add3A_77 : i32 to index
        %get3A_79 = tpu.vector_load %arg4[%get3A_78] {strides = array<i32>} : memref<3328xi32, #tpu.memory_space<vmem>>, vector<16xi32>,
        %add3A_80 = arith.constant 10 : i32
        %add3A_81 = vector.broadcast %add3A_80 : i32 to vector<16xi32>
        %add3A_82 = arith.addi %add3A_81, %iota3A : vector<16xi32>
        tpu.vector_store_idx %arg6[%broadcast_in_dim3A_65, %add3A_82, %get3A_79], %broadcast_in_dim3A_3 : memref<1x26x1000xf32, #tpu.memory_space<vmem>>[vector<16xi32>, vector<16xi32>, vector<16xi32>], vector<16xf32>,
        %mul3A_83 = arith.constant 1 : i32
        %mul3A_84 = arith.muli %scan3A_45, %mul3A_83 : i32
        %add3A_85 = arith.addi %mul3A_2, %mul3A_84 : i32
        %dma_start3A = arith.constant 1 : i32
        %dma_start3A_86 = arith.constant 0 : i32
        %dma_start3A_87 = arith.constant 0 : i32
        %dma_start3A_88 = tpu.memref_slice %arg3[%add3A_85, %dma_start3A_86, %dma_start3A_87] : memref<4096x26x1000xf32, #tpu.memory_space<hbm>> -> memref<1x26x1000xf32, #tpu.memory_space<hbm>>
        %dma_start3A_89 = tpu.memref_slice %arg7[%dma_start3A] : memref<2x!tpu.dma_semaphore, #tpu.memory_space<semaphore_mem>> -> memref<1x!tpu.dma_semaphore, #tpu.memory_space<semaphore_mem>>
        %dma_start3A_90 = tpu.memref_squeeze %dma_start3A_89 : memref<1x!tpu.dma_semaphore, #tpu.memory_space<semaphore_mem>> -> memref<!tpu.dma_semaphore, #tpu.memory_space<semaphore_mem>>
        %dma_start3A_91 = arith.constant 0 : i32
        %dma_start3A_92 = arith.constant 0 : i32
        %dma_start3A_93 = tpu.memref_slice %arg3[%add3A_85, %dma_start3A_91, %dma_start3A_92] : memref<4096x26x1000xf32, #tpu.memory_space<hbm>> -> memref<1x26x1000xf32, #tpu.memory_space<hbm>>
        tpu.enqueue_dma source(%arg6 : memref<1x26x1000xf32, #tpu.memory_space<vmem>>) target(%dma_start3A_93 : memref<1x26x1000xf32, #tpu.memory_space<hbm>>) target_semaphore(%dma_start3A_90 : memref<!tpu.dma_semaphore, #tpu.memory_space<semaphore_mem>>)
      } else {
      }
      %scan3A_55 = arith.constant 0 : i32
      scf.yield %scan3A_55 : i32
    }
    %scan3A_27 = arith.constant 128 : i32
    %dma_wait3A = arith.constant 0 : i32
    %dma_wait3A_28 = arith.constant 0 : i32
    %dma_wait3A_29 = arith.constant 0 : i32
    %dma_wait3A_30 = tpu.memref_slice %arg3[%mul3A_2, %dma_wait3A_28, %dma_wait3A_29] : memref<4096x26x1000xf32, #tpu.memory_space<hbm>> -> memref<1x26x1000xf32, #tpu.memory_space<hbm>>
    %dma_wait3A_31 = tpu.memref_slice %arg7[%dma_wait3A] : memref<2x!tpu.dma_semaphore, #tpu.memory_space<semaphore_mem>> -> memref<1x!tpu.dma_semaphore, #tpu.memory_space<semaphore_mem>>
    %dma_wait3A_32 = tpu.memref_squeeze %dma_wait3A_31 : memref<1x!tpu.dma_semaphore, #tpu.memory_space<semaphore_mem>> -> memref<!tpu.dma_semaphore, #tpu.memory_space<semaphore_mem>>
    %dma_wait3A_33 = arith.constant 0 : i32
    %dma_wait3A_34 = arith.constant 0 : i32
    %dma_wait3A_35 = tpu.memref_slice %arg3[%mul3A_2, %dma_wait3A_33, %dma_wait3A_34] : memref<4096x26x1000xf32, #tpu.memory_space<hbm>> -> memref<1x26x1000xf32, #tpu.memory_space<hbm>>
    tpu.wait_dma2 semaphore(%dma_wait3A_32 : memref<!tpu.dma_semaphore, #tpu.memory_space<semaphore_mem>>) src(%arg5 : memref<1x26x1000xf32, #tpu.memory_space<vmem>>) dst(%dma_wait3A_35 : memref<1x26x1000xf32, #tpu.memory_space<hbm>>)
    %dma_wait3A_36 = arith.constant 1 : i32
    %dma_wait3A_37 = arith.constant 0 : i32
    %dma_wait3A_38 = arith.constant 0 : i32
    %dma_wait3A_39 = tpu.memref_slice %arg3[%mul3A_2, %dma_wait3A_37, %dma_wait3A_38] : memref<4096x26x1000xf32, #tpu.memory_space<hbm>> -> memref<1x26x1000xf32, #tpu.memory_space<hbm>>
    %dma_wait3A_40 = tpu.memref_slice %arg7[%dma_wait3A_36] : memref<2x!tpu.dma_semaphore, #tpu.memory_space<semaphore_mem>> -> memref<1x!tpu.dma_semaphore, #tpu.memory_space<semaphore_mem>>
    %dma_wait3A_41 = tpu.memref_squeeze %dma_wait3A_40 : memref<1x!tpu.dma_semaphore, #tpu.memory_space<semaphore_mem>> -> memref<!tpu.dma_semaphore, #tpu.memory_space<semaphore_mem>>
    %dma_wait3A_42 = arith.constant 0 : i32
    %dma_wait3A_43 = arith.constant 0 : i32
    %dma_wait3A_44 = tpu.memref_slice %arg3[%mul3A_2, %dma_wait3A_42, %dma_wait3A_43] : memref<4096x26x1000xf32, #tpu.memory_space<hbm>> -> memref<1x26x1000xf32, #tpu.memory_space<hbm>>
    tpu.wait_dma2 semaphore(%dma_wait3A_41 : memref<!tpu.dma_semaphore, #tpu.memory_space<semaphore_mem>>) src(%arg6 : memref<1x26x1000xf32, #tpu.memory_space<vmem>>) dst(%dma_wait3A_44 : memref<1x26x1000xf32, #tpu.memory_space<hbm>>)
    return
  }
}

</mosaic_0001>

<sc_bundles>
// kernel: kernel.3.cloned.1.call-start
scs
__scs_entry_jumppad:
0x0: {  	(pc) =	sbr.rel $0x88, $3  }
0x1: {  	(tag) =	ssettag $0x0;
	lr =	simm.s32 $0x1  }
0x2: {  	[smem:$0x3FA0] =	sst lr;
	_ =	strace $0xD0000000  }
0x3: {  	_ = 	snop  }
0x4: {  	_ = 	snop  }
0x5: {  	_ = 	snop  }
0x6: {  	_ = 	snop  }
0x7: {  	_ = 	snop  }
__scs_overlays_trampoline_lowered:
0x8: {  	[smem:$0x3FAF] =	sst s0  }
0x9: {  	[smem:$0x3FB0] =	sst s1  }
0xa: {  	[smem:$0x3FB1] =	sst s2  }
0xb: {  	[smem:$0x3FB2] =	sst s3  }
0xc: {  	[smem:$0x3FB3] =	sst s4  }
0xd: {  	[smem:$0x3FB4] =	sst s5  }
0xe: {  	[smem:$0x3FB5] =	sst s6  }
0xf: {  	[smem:$0x3FB6] =	sst s7  }
0x10: {  	[smem:$0x3FB7] =	sst s8  }
0x11: {  	[smem:$0x3FB8] =	sst s9;
	s0 =	simm.s32 @!p0 $0x0  }
0x12: {  	s1 =	sld [smem:$0x3F9E];
	s0 =	simm.s32 @p0 $0x1  }
0x13: {  	[smem:$0x3FB9] =	sst s0;
	s0 =	simm.s32 @!p1 $0x0  }
0x14: {  	s2 =	sld [smem:$0x3F9D];
	s0 =	simm.s32 @p1 $0x1  }
0x15: {  	[smem:$0x3FBA] =	sst s0;
	s0 =	simm.s32 @!p2 $0x0  }
0x16: {  	s3 =	sld [smem:$0x3FDB];
	s0 =	simm.s32 @p2 $0x1  }
0x17: {  	s4 =	simm.s32 $0x1BF5;
	[smem:$0x3FBC] =	sst s0  }
0x18: {  	s0 =	sld [smem:$0x3F9F];
	_ =	swait.ge [sflag:s4], $0x0  }
0x19: {  	s7 =	sld [smem:$0x3FA0]  }
0x1a: {  	s8 =	sadd.s32 $0xFFFFE003, lr  }
0x1b: {  	s9 =	sadd.s32 $0xFFFFFEF7, lr;
	s5 =	simm.s32 $0xFFFFFFFF;
	p2 =	slt.u32 s8, $0xFFFFF086  }
0x1c: {  	p1 =	slt.u32 s9, $0xF7A;
	s5 =	simm.s32 @!p2 $0x0  }
0x1d: {  	s5 =	simm.s32 @p1 $0x1;
	p0 =	seq.s32 s7, s2  }
0x1e: {  	s7 =	smul.u32 @!p0 $0xF7A, s2;
	p2 =	seq.s32 @!p0 s5, $0x0  }
0x1f: {  	s9 =	smul.u32 $0xF7A, s1;
	s8 =	simm.s32 @!p0 $0x1BF5;
	p2 =	por !p2, p0  }
0x20: {  	[sflag:s8] =	ssyncset.s32 @!p0 $0xFFFFF086;
	s6 =	sadd.s32 @!p0 s3, s7;
	s7 =	simm.s32 @!p0 $0x108  }
0x21: {  	s3 =	sadd.s32 s3, s9;
	s6 =	sadd.s32 @!p0 $0x88, s6;
	s7 =	simm.s32 @p2 $0x1082  }
0x22: {  	[simem:s7], [sflag:s8] =	dma.local @!p0 [hbm:s6], $0xF7A  }
0x23: {  	s9 =	sor.u32 $0xD0000000, s2;
	s6 =	simm.s32 $0x108;
	_ =	swait.ge @!p0 [sflag:s8], $0x0  }
0x24: {  	s3 =	sadd.s32 $0x88, s3;
	s6 =	simm.s32 @!p1 $0x1082;
	[sflag:s4] =	ssyncset.s32 $0xFFFFF086  }
0x25: {  	[simem:s6], [sflag:s4] =	dma.local [hbm:s3], $0xF7A  }
0x26: {  	[smem:$0x3FA0] =	sst s1;
	(tag) =	ssettag s2;
	_ =	strace s9  }
0x27: {  	s1 =	sld [smem:$0x3FB0]  }
0x28: {  	s2 =	sld [smem:$0x3FB1]  }
0x29: {  	s4 =	sld [smem:$0x3FB3]  }
0x2a: {  	p0 =	seq.s32 s5, $0x0;
	s5 =	sld [smem:$0x3FB4]  }
0x2b: {  	s6 =	sld [smem:$0x3FB5]  }
0x2c: {  	s7 =	sld [smem:$0x3FB6]  }
0x2d: {  	s3 =	simm.s32 $0x108;
	s8 =	sld [smem:$0x3FB7]  }
0x2e: {  	s3 =	simm.s32 @!p0 $0x1082;
	s9 =	sld [smem:$0x3FB8]  }
0x2f: {  	lr =	sadd.s32 s0, s3;
	s0 =	sld [smem:$0x3FAF]  }
0x30: {  	s3 =	sld [smem:$0x3FB2]  }
0x31: {  	[smem:$0x3FBB] =	sst s10  }
0x32: {  	s10 =	sld [smem:$0x3FB9];
	_ =	sdelay $0x3  }
0x33: {  	p0 =	seq.s32 s10, $0x1;
	s10 =	sld [smem:$0x3FBB];
	_ =	sdelay $0x3  }
0x34: {  	[smem:$0x3FBB] =	sst s10  }
0x35: {  	s10 =	sld [smem:$0x3FBA];
	_ =	sdelay $0x3  }
0x36: {  	p1 =	seq.s32 s10, $0x1;
	s10 =	sld [smem:$0x3FBB];
	_ =	sdelay $0x3  }
0x37: {  	[smem:$0x3FBB] =	sst s10  }
0x38: {  	s10 =	sld [smem:$0x3FBC]  }
0x39: {  	_ = 	snop;
	(pc) =	sbr.ind lr, $3  }
0x3a: {  	_ = 	snop  }
0x3b: {  	_ = 	snop  }
0x3c: {  	p2 =	seq.s32 s10, $0x1;
	s10 =	sld [smem:$0x3FBB]  }
0x3d: {  	_ =	shalt  }
0x3e: {  	_ =	shalt  }
0x3f: {  	_ =	shalt  }
0x40: {  	_ =	shalt  }
0x41: {  	_ =	shalt  }
0x42: {  	_ =	shalt  }
0x43: {  	_ =	shalt  }
0x44: {  	_ =	shalt  }
0x45: {  	_ =	shalt  }
0x46: {  	_ =	shalt  }
0x47: {  	_ =	shalt  }
0x48: {  	_ =	shalt  }
0x49: {  	_ =	shalt  }
0x4a: {  	_ =	shalt  }
0x4b: {  	_ =	shalt  }
0x4c: {  	_ =	shalt  }
0x4d: {  	_ =	shalt  }
0x4e: {  	_ =	shalt  }
0x4f: {  	_ =	shalt  }
0x50: {  	_ =	shalt  }
0x51: {  	_ =	shalt  }
0x52: {  	_ =	shalt  }
0x53: {  	_ =	shalt  }
0x54: {  	_ =	shalt  }
0x55: {  	_ =	shalt  }
0x56: {  	_ =	shalt  }
0x57: {  	_ =	shalt  }
0x58: {  	_ =	shalt  }
0x59: {  	_ =	shalt  }
0x5a: {  	_ =	shalt  }
0x5b: {  	_ =	shalt  }
0x5c: {  	_ =	shalt  }
0x5d: {  	_ =	shalt  }
0x5e: {  	_ =	shalt  }
0x5f: {  	_ =	shalt  }
0x60: {  	_ =	shalt  }
0x61: {  	_ =	shalt  }
0x62: {  	_ =	shalt  }
0x63: {  	_ =	shalt  }
0x64: {  	_ =	shalt  }
0x65: {  	_ =	shalt  }
0x66: {  	_ =	shalt  }
0x67: {  	_ =	shalt  }
0x68: {  	_ =	shalt  }
0x69: {  	_ =	shalt  }
0x6a: {  	_ =	shalt  }
0x6b: {  	_ =	shalt  }
0x6c: {  	_ =	shalt  }
0x6d: {  	_ =	shalt  }
0x6e: {  	_ =	shalt  }
0x6f: {  	_ =	shalt  }
0x70: {  	_ =	shalt  }
0x71: {  	_ =	shalt  }
0x72: {  	_ =	shalt  }
0x73: {  	_ =	shalt  }
0x74: {  	_ =	shalt  }
0x75: {  	_ =	shalt  }
0x76: {  	_ =	shalt  }
0x77: {  	_ =	shalt  }
0x78: {  	_ =	shalt  }
0x79: {  	_ =	shalt  }
0x7a: {  	_ =	shalt  }
0x7b: {  	_ =	shalt  }
0x7c: {  	_ =	shalt  }
0x7d: {  	_ =	shalt  }
0x7e: {  	_ =	shalt  }
0x7f: {  	_ =	shalt  }
0x80: {  	_ =	shalt  }
0x81: {  	_ =	shalt  }
0x82: {  	_ =	shalt  }
0x83: {  	_ =	shalt  }
0x84: {  	_ =	shalt  }
0x85: {  	_ =	shalt  }
0x86: {  	_ =	shalt  }
0x87: {  	_ =	shalt  }
.Lfunc_end0:
.L_simem_size_0:
called_computation_lowered:
.L_overlay_start_0:
0x88: {  	s2 =	sld [smem:$0x3FD9]  }
0x89: {  	s3 =	sld [smem:$0x3FFE];
	_ =	sdelay $0x1  }
0x8a: {  	s1 =	srdreg.scid  }
0x8b: {  	s0 =	sand.u32 $0x1, s1  }
0x8c: {  	s17 =	sshll.u32 s0, $0xA;
	s2 =	sadd.s32 s3, s2  }
0x8d: {  	s2 =	sadd.s32 s2, s17  }
0x8e: {  	[smem:$0x3FC7] =	sst s2  }
0x8f: {  	_ = 	snop  }
0x90: {  	s2 =	sld [smem:$0x3FD0];
	(tm) =	ssettm $0x1  }
0x91: {  	s18 =	sld [smem:$0x3FFB];
	_ =	sdelay $0x3  }
0x92: {  	_ =	strace s18  }
0x93: {  	s3 =	sld [smem:$0x3FFC];
	_ =	sdelay $0x3  }
0x94: {  	_ =	strace s3  }
0x95: {  	s3 =	sld [smem:$0x3FFD];
	_ =	sdelay $0x3  }
0x96: {  	_ =	strace s3  }
0x97: {  	_ =	strace $0x8FFFFFFF  }
0x98: {  	s19 =	sld [smem:$0x3FDB];
	_ =	sdelay $0x1  }
0x99: {  	s4 =	simm.s32 $_scs_section_size  }
0x9a: {  	s5 =	simm.s32 $_size__tile_overlayer_lowered;
	s6 =	simm.s32 $_tile_overlayer_lowered  }
0x9b: {  	s22 =	simm.s32 $0x1BFF;
	s21 =	sshll.u32 s6, $0x1;
	s3 =	sadd.s32 s4, s19  }
0x9c: {  	s7 =	simm.s32 $0x0;
	s20 =	sshll.u32 s5, $0x1;
	s5 =	sadd.s32 s21, s3  }
0x9d: {  	[timem:s7], [sflag:s22] =	dma.local [hbm:s5], s20  }
0x9e: {  	_ =	swait.ge [sflag:s22], s20  }
0x9f: {  	s4 =	ssub.s32 $0x0, s20;
	[sflag:s22] =	ssyncset.done $0x0  }
0xa0: {  	[sflag:s22] =	ssyncadd.s32 s4;
	_ =	sdelay $0x1  }
0xa1: {  	s23 =	simm.s32 $0x1B8B  }
0xa2: {  	_ =	swait.ge [sflag:s23], $0x1  }
0xa3: {  	[sflag:s23] =	ssyncset.done $0x0  }
0xa4: {  	s25 =	simm.s32 $0x1B8E;
	s24 =	sld [smem:$0x3FFE];
	[sflag:s23] =	ssyncadd.s32 $0xFFFFFFFF  }
0xa5: {  	s26 =	simm.s32 $execute0_lowered;
	[smem:$0x3FD2] =	sst s25  }
0xa6: {  	s5 =	sshll.u32 s26, $0x1;
	_ =	strace $0x80000046;
	[dreg:$0x1] =	wrdreg $0xFFFFFFFF  }
0xa7: {  	s28 =	simm.s32 $_size_execute0_lowered;
	s3 =	sadd.s32 s3, s5;
	[dreg:$0x0] =	wrdreg $0x0  }
0xa8: {  	s5 =	sshll.u32 s28, $0x1;
	[dreg:$0x2] =	wrdreg s3  }
0xa9: {  	[dreg:$0x3] =	wrdreg s5  }
0xaa: {  	[dreg:$0x4] =	wrdreg $0xC0  }
0xab: {  	_ =	task [dreg:s7], $0x5FFFF  }
0xac: {  	[dreg:$0x1] =	wrdreg $0xFFFFFFFF  }
0xad: {  	[dreg:$0x0] =	wrdreg $0x60  }
0xae: {  	[dreg:$0x2] =	wrdreg s2  }
0xaf: {  	[dreg:$0x3] =	wrdreg s24  }
0xb0: {  	[dreg:$0x4] =	wrdreg $0x9  }
0xb1: {  	_ =	task.clear_ibuf [dreg:s7], $0x5FFFF;
	_ =	strace $0x90000046  }
0xb2: {  	s29 =	simm.s32 $0x9;
	_ =	strace $0x80000048  }
0xb3: {  	_ =	swait.ge [sflag:s29], $0x1  }
0xb4: {  	[sflag:s29] =	ssyncadd.s32 $0xFFFFFFFF  }
0xb5: {  	_ =	strace $0x90000048  }
0xb6: {  	_ =	sfence  }
0xb7: {  	s30 =	sld [smem:$0x0];
	_ =	sdelay $0x2  }
0xb8: {  	s31 =	sshll.u32 s1, $0xD;
	s1 =	sshrl.u32 s1, $0x2  }
0xb9: {  	s3 =	sand.u32 $0x4000, s31;
	s1 =	sadd.s32 s1, s30  }
0xba: {  	s0 =	sor.u32 s3, s0;
	s1 =	sshll.u32 s1, $0x11  }
0xbb: {  	s0 =	sor.u32 s1, s0  }
0xbc: {  	s0 =	sadd.s32 $0x8F2B, s0  }
0xbd: {  	[sflag:s0] =	ssyncadd.remote.s32 $0x1  }
0xbe: {  	_ =	sfence.sel $0xFFFF  }
0xbf: {  	[dreg:$0x0] =	wrdreg $0xFFFFFFFF;
	(pc) =	sbr.abs _section_cstart, $3  }
0xc0: {  	[dreg:$0x1] =	wrdreg $0xFFFFFFFF  }
0xc1: {  	_ =	task.clear_ibuf [dreg:s7], $0x2FFFF;
	_ =	strace $0x9FFFFFFF  }
0xc2: {  	(tm) =	ssettm $0x7FFFFFFF  }
0xc3: {  	_ =	shalt  }
tec
execute0_lowered:
.L_overlay_start_1:
0x0: {  	(tag) =	ssettag $0x1  }
0x1: {  	v13 =	vlaneseq.u32;
	v1 =	vimm.f32 $0.0e+00;
	vm0 =	vcmask $0x300  }
0x2: {  	v2 =	vimm.s32 $0x6080;
	vm1 =	vcmask $0x704;
	vm15 =	vcmask $0xB08  }
0x3: {  	vm4 =	vcmask $0xF0C;
	vm5 =	vcmask $0x1310;
	vm6 =	vcmask $0x1714  }
0x4: {  	vm7 =	vcmask $0x1B18;
	vm8 =	vcmask $0x1F1C;
	vm9 =	vcmask $0x2320  }
0x5: {  	vm10 =	vcmask $0x2724;
	vm11 =	vcmask $0x2B28;
	vm12 =	vcmask $0x2F2C  }
0x6: {  	vm13 =	vcmask $0x3330;
	vm14 =	vcmask $0x3734;
	v14 =	vor.u32 $0x10, v13  }
0x7: {  	v6 =	vor.u32 $0x20, v13;
	v8 =	vor.u32 $0x30, v13;
	v11 =	vor.u32 $0x40, v13  }
0x8: {  	v15 =	vor.u32 $0x50, v13;
	v16 =	vor.u32 $0x60, v13;
	v17 =	vor.u32 $0x70, v13  }
0x9: {  	v18 =	vor.u32 $0x400, v13;
	v19 =	vor.u32 $0x410, v13;
	v20 =	vor.u32 $0x420, v13  }
0xa: {  	v21 =	vor.u32 $0x430, v13;
	v22 =	vor.u32 $0x440, v13;
	v23 =	vor.u32 $0x450, v13  }
0xb: {  	v24 =	vor.u32 $0x460, v13;
	v25 =	vor.u32 $0x470, v13;
	v26 =	vor.u32 $0x800, v13  }
0xc: {  	v27 =	vor.u32 $0x810, v13;
	v28 =	vor.u32 $0x820, v13;
	v29 =	vor.u32 $0x830, v13  }
0xd: {  	v30 =	vor.u32 $0x840, v13;
	v31 =	vor.u32 $0x850, v13;
	v32 =	vor.u32 $0x860, v13  }
0xe: {  	v33 =	vor.u32 $0x870, v13;
	v34 =	vor.u32 $0xC00, v13;
	v35 =	vor.u32 $0xC10, v13  }
0xf: {  	v36 =	vor.u32 $0xC20, v13;
	v37 =	vor.u32 $0xC30, v13;
	v0 =	vor.u32 $0x1C00, v13  }
0x10: {  	v38 =	vor.u32 $0xC40, v13;
	v39 =	vor.u32 $0xC50, v13;
	[tilespmem:$0x1FF10] =	vst v0;
	v0 =	vor.u32 $0x1C10, v13  }
0x11: {  	v40 =	vor.u32 $0xC60, v13;
	v41 =	vor.u32 $0xC70, v13;
	[tilespmem:$0x1FF20] =	vst v0;
	v0 =	vor.u32 $0x1C20, v13  }
0x12: {  	v42 =	vor.u32 $0x1000, v13;
	v43 =	vor.u32 $0x1010, v13;
	[tilespmem:$0x1FF30] =	vst v0;
	v0 =	vor.u32 $0x1C30, v13  }
0x13: {  	v44 =	vor.u32 $0x1020, v13;
	v2 =	vsel vm0, $0x2100, v2;
	[tilespmem:$0x1FF40] =	vst v0;
	v0 =	vimm.s32 $0x2380  }
0x14: {  	v45 =	vor.u32 $0x1030, v13;
	v2 =	vsel vm1, $0x2180, v2;
	v0 =	vsel vm0, $0x0, v0  }
0x15: {  	v46 =	vor.u32 $0x1040, v13;
	v2 =	vsel vm15, $0x2200, v2;
	v0 =	vsel vm1, $0x80, v0  }
0x16: {  	v47 =	vor.u32 $0x1050, v13;
	v2 =	vsel vm4, $0x2280, v2;
	v0 =	vsel vm15, $0x100, v0  }
0x17: {  	v48 =	vor.u32 $0x1060, v13;
	v2 =	vsel vm5, $0x2300, v2;
	v0 =	vsel vm4, $0x180, v0  }
0x18: {  	s4 =	rddreg [dreg:$0x0];
	v49 =	vor.u32 $0x1070, v13;
	v2 =	vsel vm6, $0x2380, v2;
	v0 =	vsel vm5, $0x200, v0  }
0x19: {  	s3 =	rddreg [dreg:$0x1];
	s2 =	simm.s32 $0x0;
	v50 =	vor.u32 $0x1400, v13;
	v2 =	vsel vm7, $0x4000, v2;
	v0 =	vsel vm6, $0x280, v0  }
0x1a: {  	[smem:$0x7FF] =	sst s2;
	v7 =	vor.u32 $0x1C40, v13;
	v2 =	vsel vm8, $0x4080, v2;
	v0 =	vsel vm7, $0x300, v0  }
0x1b: {  	s0 =	rddreg [dreg:$0x2];
	v10 =	vor.u32 $0x1860, v13;
	_ =	strace $0x80000047;
	[tilespmem:$0x1FF90] =	vst v7;
	v2 =	vsel vm9, $0x4100, v2;
	v0 =	vsel vm8, $0x380, v0  }
0x1c: {  	v9 =	vor.u32 $0x1850, v13;
	[tilespmem:$0x1FFA0] =	vst v10;
	v2 =	vsel vm10, $0x4180, v2;
	v0 =	vsel vm9, $0x2000, v0  }
0x1d: {  	v12 =	vor.u32 $0x1870, v13;
	[tilespmem:$0x1FFB0] =	vst v9;
	v2 =	vsel vm11, $0x4200, v2;
	v0 =	vsel vm10, $0x2080, v0  }
0x1e: {  	s5 =	srdreg.scid;
	v51 =	vor.u32 $0x1410, v13;
	[tilespmem:$0x1FFC0] =	vst v12;
	v2 =	vsel vm12, $0x4280, v2;
	v0 =	vsel vm11, $0x2100, v0  }
0x1f: {  	s1 =	stileid.u32;
	s10 =	simm.s32 $0x2;
	s11 =	simm.s32 $0x1;
	v52 =	vor.u32 $0x1420, v13;
	[tilespmem:$0x1FFD0] =	vst v14;
	v2 =	vsel vm13, $0x4300, v2;
	v0 =	vsel vm12, $0x2180, v0  }
0x20: {  	s12 =	simm.s32 $0x0;
	s5 =	sand.u32 $0x1, s5;
	s6 =	sshll.u32 s1, $0x1;
	[tilespmem:$0x1FFE0] =	vst v6;
	vm15 =	vcmask $0x3B38;
	v2 =	vsel vm14, $0x4380, v2;
	v0 =	vsel vm13, $0x2200, v0  }
.Ltmp0:
0x21: {  	v53 =	vor.u32 $0x1430, v13;
	s7 =	ssub.s32 $0x2, s5;
	s6 =	sor.u32 s5, s6;
	[tilespmem:$0x1FFF0] =	vst v8;
	v4 =	vsel vm15, $0x6000, v2;
	v0 =	vsel vm14, $0x2280, v0;
	(pc) =	sbr.rel .LBB2_1-.Ltmp0, $4  }
0x22: {  	v54 =	vor.u32 $0x1440, v13;
	s3 =	sadd.s32 $0x400, s3;
	s8 =	sshrl.u32 s7, $0x1;
	s6 =	smul.u32 $0x1A0, s6;
	[tilespmem:$0x1FF80] =	vst v4;
	v3 =	vsel vm15, $0x2300, v0;
	v0 =	vor.u32 $0x1C50, v13  }
0x23: {  	v55 =	vor.u32 $0x1450, v13;
	v56 =	vor.u32 $0x1460, v13;
	v57 =	vor.u32 $0x1470, v13;
	s31 =	sshll.u32 s1, $0x14;
	s9 =	sshll.u32 s5, $0x13;
	s7 =	ssub.s32 s7, s8;
	[tilespmem:$0x1FF50] =	vst v0  }
0x24: {  	v58 =	vor.u32 $0x1800, v13;
	v59 =	vor.u32 $0x1810, v13;
	s8 =	simm.s32 $0xD00;
	s4 =	sadd.s32 s4, s6;
	s5 =	smax.u32 s7, $0x1;
	v0 =	vor.u32 $0x1C60, v13;
	[tilespmem:$0x1FF70] =	vst v3  }
0x25: {  	v60 =	vor.u32 $0x1820, v13;
	v61 =	vor.u32 $0x1830, v13;
	v62 =	vor.u32 $0x1840, v13;
	s6 =	sor.u32 s9, s31;
	s7 =	simm.s32 $0x3;
	s9 =	simm.s32 $0x8D00;
	[tilespmem:$0x1FF60] =	vst v0  }
.LBB2_10:
0x26: {  	s12 =	sadd.s32 $0x1, s12  }
0x27: {  	_ =	swait.ge [sflag:s11], $0x8000;
	p0 =	sne.s32 s12, s5  }
.Ltmp1:
0x28: {  	[sflag:s11] =	ssyncset.done $0x0;
	(pc) =	sbr.rel @!p0 .LBB2_11-.Ltmp1, $4  }
0x29: {  	[sflag:s11] =	ssyncadd.s32 $0xFFFF8000  }
0x2a: {  	_ =	swait.ge [sflag:s10], $0x8000  }
0x2b: {  	[sflag:s10] =	ssyncset.done $0x0  }
0x2c: {  	[sflag:s10] =	ssyncadd.s32 $0xFFFF8000  }
.LBB2_1:
0x2d: {  	v0 =	vmov s2  }
0x2e: {  	v63 =	vshll.u32 v0, $0xA;
	v0 =	vshll.u32 v0, $0x7  }
0x2f: {  	v3 =	vand.u32 $0x6000, v63;
	v2 =	vand.u32 $0x380, v0  }
0x30: {  	v3 =	vor.u32 v2, v3  }
0x31: {  	v4 =	vor.u32 v13, v3  }
0x32: {  	[tilespmem:s2], [sflag:$0x3] =	stream.linear.gather [hbm4b:s4+s2], $0xD00, $0x38;
	v5 =	vor.u32 v14, v3;
	[tilespmem:$0x10D00] =	vst v63  }
0x33: {  	_ =	swait.ge [sflag:s7], $0xD00;
	v6 =	vor.u32 v6, v3  }
0x34: {  	[sflag:s7] =	ssyncset.done $0x0;
	v14 =	vmov v7;
	v7 =	vor.u32 v8, v3  }
0x35: {  	[sflag:s7] =	ssyncadd.s32 $0xFFFFF300;
	v0 =	vor.u32 v11, v3  }
0x36: {  	[tilespmem:v4+s8+$0x0] =	vst.idx.msk $0xffff, v1;
	v4 =	vor.u32 v15, v3  }
0x37: {  	[tilespmem:v5+s8+$0x0] =	vst.idx.msk $0xffff, v1;
	v5 =	vor.u32 v16, v3  }
0x38: {  	[tilespmem:v6+s8+$0x0] =	vst.idx.msk $0xffff, v1;
	v6 =	vor.u32 v17, v3  }
0x39: {  	[tilespmem:v7+s8+$0x0] =	vst.idx.msk $0xffff, v1;
	v7 =	vor.u32 v18, v3  }
0x3a: {  	[tilespmem:v0+s8+$0x0] =	vst.idx.msk $0xffff, v1;
	v0 =	vor.u32 v19, v3  }
0x3b: {  	[tilespmem:v4+s8+$0x0] =	vst.idx.msk $0xffff, v1;
	v4 =	vor.u32 v20, v3  }
0x3c: {  	[tilespmem:v5+s8+$0x0] =	vst.idx.msk $0xffff, v1;
	v5 =	vor.u32 v21, v3  }
0x3d: {  	[tilespmem:v6+s8+$0x0] =	vst.idx.msk $0xffff, v1;
	v6 =	vor.u32 v22, v3  }
0x3e: {  	[tilespmem:v7+s8+$0x0] =	vst.idx.msk $0xffff, v1;
	v7 =	vor.u32 v23, v3  }
0x3f: {  	[tilespmem:v0+s8+$0x0] =	vst.idx.msk $0xffff, v1;
	v0 =	vor.u32 v24, v3  }
0x40: {  	[tilespmem:v4+s8+$0x0] =	vst.idx.msk $0xffff, v1;
	v4 =	vor.u32 v25, v3  }
0x41: {  	[tilespmem:v5+s8+$0x0] =	vst.idx.msk $0xffff, v1;
	v5 =	vor.u32 v26, v3  }
0x42: {  	[tilespmem:v6+s8+$0x0] =	vst.idx.msk $0xffff, v1;
	v6 =	vor.u32 v27, v3  }
0x43: {  	[tilespmem:v7+s8+$0x0] =	vst.idx.msk $0xffff, v1;
	v7 =	vor.u32 v28, v3  }
0x44: {  	[tilespmem:v0+s8+$0x0] =	vst.idx.msk $0xffff, v1;
	v0 =	vor.u32 v29, v3  }
0x45: {  	[tilespmem:v4+s8+$0x0] =	vst.idx.msk $0xffff, v1;
	v4 =	vor.u32 v30, v3  }
0x46: {  	[tilespmem:v5+s8+$0x0] =	vst.idx.msk $0xffff, v1;
	v5 =	vor.u32 v31, v3  }
0x47: {  	[tilespmem:v6+s8+$0x0] =	vst.idx.msk $0xffff, v1;
	v6 =	vor.u32 v32, v3  }
0x48: {  	[tilespmem:v7+s8+$0x0] =	vst.idx.msk $0xffff, v1;
	v7 =	vor.u32 v33, v3  }
0x49: {  	[tilespmem:v0+s8+$0x0] =	vst.idx.msk $0xffff, v1;
	v0 =	vor.u32 v34, v3  }
0x4a: {  	[tilespmem:v4+s8+$0x0] =	vst.idx.msk $0xffff, v1;
	v4 =	vor.u32 v35, v3  }
0x4b: {  	[tilespmem:v5+s8+$0x0] =	vst.idx.msk $0xffff, v1;
	v5 =	vor.u32 v36, v3  }
0x4c: {  	[tilespmem:v6+s8+$0x0] =	vst.idx.msk $0xffff, v1;
	v6 =	vor.u32 v37, v3  }
0x4d: {  	[tilespmem:v7+s8+$0x0] =	vst.idx.msk $0xffff, v1;
	v7 =	vor.u32 v38, v3  }
0x4e: {  	[tilespmem:v0+s8+$0x0] =	vst.idx.msk $0xffff, v1;
	v0 =	vor.u32 v39, v3  }
0x4f: {  	[tilespmem:v4+s8+$0x0] =	vst.idx.msk $0xffff, v1;
	v4 =	vor.u32 v40, v3  }
0x50: {  	[tilespmem:v5+s8+$0x0] =	vst.idx.msk $0xffff, v1;
	v5 =	vor.u32 v41, v3  }
0x51: {  	[tilespmem:v6+s8+$0x0] =	vst.idx.msk $0xffff, v1;
	v6 =	vor.u32 v42, v3  }
0x52: {  	[tilespmem:v7+s8+$0x0] =	vst.idx.msk $0xffff, v1;
	v7 =	vor.u32 v43, v3  }
0x53: {  	[tilespmem:v0+s8+$0x0] =	vst.idx.msk $0xffff, v1;
	v0 =	vor.u32 v44, v3  }
0x54: {  	[tilespmem:v4+s8+$0x0] =	vst.idx.msk $0xffff, v1;
	v4 =	vor.u32 v45, v3  }
0x55: {  	[tilespmem:v5+s8+$0x0] =	vst.idx.msk $0xffff, v1;
	v5 =	vor.u32 v46, v3  }
0x56: {  	[tilespmem:v6+s8+$0x0] =	vst.idx.msk $0xffff, v1;
	v6 =	vor.u32 v47, v3  }
0x57: {  	[tilespmem:v7+s8+$0x0] =	vst.idx.msk $0xffff, v1;
	v7 =	vor.u32 v48, v3  }
0x58: {  	[tilespmem:v0+s8+$0x0] =	vst.idx.msk $0xffff, v1;
	v0 =	vor.u32 v49, v3  }
0x59: {  	[tilespmem:v4+s8+$0x0] =	vst.idx.msk $0xffff, v1;
	v4 =	vor.u32 v50, v3  }
0x5a: {  	[tilespmem:v5+s8+$0x0] =	vst.idx.msk $0xffff, v1;
	v5 =	vor.u32 v51, v3  }
0x5b: {  	[tilespmem:v6+s8+$0x0] =	vst.idx.msk $0xffff, v1;
	v6 =	vor.u32 v52, v3  }
0x5c: {  	[tilespmem:v7+s8+$0x0] =	vst.idx.msk $0xffff, v1;
	v7 =	vor.u32 v53, v3  }
0x5d: {  	[tilespmem:v0+s8+$0x0] =	vst.idx.msk $0xffff, v1;
	v0 =	vor.u32 v54, v3  }
0x5e: {  	[tilespmem:v4+s8+$0x0] =	vst.idx.msk $0xffff, v1;
	v4 =	vor.u32 v55, v3  }
0x5f: {  	[tilespmem:v5+s8+$0x0] =	vst.idx.msk $0xffff, v1;
	v5 =	vor.u32 v56, v3  }
0x60: {  	[tilespmem:v6+s8+$0x0] =	vst.idx.msk $0xffff, v1;
	v6 =	vor.u32 v57, v3  }
0x61: {  	[tilespmem:v7+s8+$0x0] =	vst.idx.msk $0xffff, v1;
	v7 =	vor.u32 v58, v3  }
0x62: {  	[tilespmem:v0+s8+$0x0] =	vst.idx.msk $0xffff, v1;
	v0 =	vor.u32 v59, v3  }
0x63: {  	[tilespmem:v4+s8+$0x0] =	vst.idx.msk $0xffff, v1  }
0x64: {  	v4 =	vor.u32 v60, v3;
	[tilespmem:v5+s8+$0x0] =	vst.idx.msk $0xffff, v1  }
0x65: {  	[tilespmem:v6+s8+$0x0] =	vst.idx.msk $0xffff, v1  }
0x66: {  	[tilespmem:v7+s8+$0x0] =	vst.idx.msk $0xffff, v1  }
0x67: {  	[tilespmem:v0+s8+$0x0] =	vst.idx.msk $0xffff, v1;
	v0 =	vor.u32 v10, v3  }
0x68: {  	v5 =	vor.u32 v61, v3;
	[tilespmem:$0x1FED0] =	vst v0  }
0x69: {  	v6 =	vor.u32 v62, v3;
	[tilespmem:v4+s8+$0x0] =	vst.idx.msk $0xffff, v1;
	v4 =	vld [tilespmem:$0x1FED0]  }
0x6a: {  	v7 =	vor.u32 v9, v3;
	v10 =	vld [tilespmem:$0x1FF10];
	_ =	sdelay $0x2  }
0x6b: {  	[tilespmem:v5+s8+$0x0] =	vst.idx.msk $0xffff, v1  }
0x6c: {  	v2 =	vor.u32 v2, v63;
	v3 =	vor.u32 v12, v3;
	[tilespmem:v6+s8+$0x0] =	vst.idx.msk $0xffff, v1  }
0x6d: {  	s13 =	simm.s32 $0x1;
	[tilespmem:v7+s8+$0x0] =	vst.idx.msk $0xffff, v1;
	v0 =	vor.u32 v10, v2  }
0x6e: {  	[tilespmem:$0x1FEE0] =	vst v0;
	v0 =	vmov s13  }
0x6f: {  	[tilespmem:v4+s8+$0x0] =	vst.idx.msk $0xffff, v1;
	v4 =	vshll.u32 v0, $0xA  }
0x70: {  	v63 =	vld [tilespmem:$0x1FF20];
	v0 =	vshll.u32 v0, $0x7;
	[tilespmem:$0x1FEF0] =	vst v4  }
0x71: {  	[tilespmem:v3+s8+$0x0] =	vst.idx.msk $0xffff, v1;
	v3 =	vand.u32 $0x6000, v4;
	v4 =	vand.u32 $0x380, v0;
	v0 =	vld [tilespmem:$0x1FEE0]  }
0x72: {  	v9 =	vld [tilespmem:$0x1FF30];
	_ =	sdelay $0x2  }
0x73: {  	v5 =	vor.u32 v63, v2;
	_ =	sdelay $0x1  }
0x74: {  	v13 =	vld [tilespmem:$0x1FF40];
	v6 =	vor.u32 v9, v2;
	_ =	sdelay $0x1  }
0x75: {  	[tilespmem:v0+s8+$0x0] =	vst.idx.msk $0xffff, v1;
	v0 =	vld [tilespmem:$0x1FF50]  }
0x76: {  	[tilespmem:v5+s8+$0x0] =	vst.idx.msk $0xffff, v1;
	v5 =	vld [tilespmem:$0x1FF60];
	_ =	sdelay $0x1  }
0x77: {  	v7 =	vor.u32 v13, v2;
	[tilespmem:v6+s8+$0x0] =	vst.idx.msk $0xffff, v1;
	v6 =	vld [tilespmem:$0x1FFD0]  }
0x78: {  	v14 =	vor.u32 v14, v2;
	[tilespmem:$0x1FF00] =	vst v4;
	v3 =	vor.u32 v4, v3;
	v4 =	vld [tilespmem:$0x1FFE0]  }
0x79: {  	v0 =	vor.u32 v0, v2  }
0x7a: {  	v12 =	vlaneseq.u32;
	v2 =	vor.u32 v5, v2  }
0x7b: {  	v5 =	vor.u32 v12, v3  }
0x7c: {  	[tilespmem:v7+s8+$0x0] =	vst.idx.msk $0xffff, v1;
	v6 =	vor.u32 v6, v3  }
0x7d: {  	v4 =	vor.u32 v4, v3;
	[tilespmem:v14+s8+$0x0] =	vst.idx.msk $0xffff, v1  }
0x7e: {  	[tilespmem:v0+s8+$0x0] =	vst.idx.msk $0xffff, v1;
	v0 =	vor.u32 v8, v3  }
0x7f: {  	[tilespmem:v2+s8+$0x0] =	vst.idx.msk $0xff, v1;
	v2 =	vor.u32 v11, v3  }
0x80: {  	[tilespmem:v5+s8+$0x0] =	vst.idx.msk $0xffff, v1;
	v5 =	vor.u32 v15, v3  }
0x81: {  	[tilespmem:v6+s8+$0x0] =	vst.idx.msk $0xffff, v1;
	v6 =	vor.u32 v16, v3  }
0x82: {  	[tilespmem:v4+s8+$0x0] =	vst.idx.msk $0xffff, v1;
	v4 =	vor.u32 v17, v3  }
0x83: {  	[tilespmem:v0+s8+$0x0] =	vst.idx.msk $0xffff, v1;
	v0 =	vor.u32 v18, v3  }
0x84: {  	[tilespmem:v2+s8+$0x0] =	vst.idx.msk $0xffff, v1;
	v2 =	vor.u32 v19, v3  }
0x85: {  	[tilespmem:v5+s8+$0x0] =	vst.idx.msk $0xffff, v1;
	v5 =	vor.u32 v20, v3  }
0x86: {  	[tilespmem:v6+s8+$0x0] =	vst.idx.msk $0xffff, v1;
	v6 =	vor.u32 v21, v3  }
0x87: {  	[tilespmem:v4+s8+$0x0] =	vst.idx.msk $0xffff, v1;
	v4 =	vor.u32 v22, v3  }
0x88: {  	[tilespmem:v0+s8+$0x0] =	vst.idx.msk $0xffff, v1;
	v0 =	vor.u32 v23, v3  }
0x89: {  	[tilespmem:v2+s8+$0x0] =	vst.idx.msk $0xffff, v1;
	v2 =	vor.u32 v24, v3  }
0x8a: {  	[tilespmem:v5+s8+$0x0] =	vst.idx.msk $0xffff, v1;
	v5 =	vor.u32 v25, v3  }
0x8b: {  	[tilespmem:v6+s8+$0x0] =	vst.idx.msk $0xffff, v1;
	v6 =	vor.u32 v26, v3  }
0x8c: {  	[tilespmem:v4+s8+$0x0] =	vst.idx.msk $0xffff, v1;
	v4 =	vor.u32 v27, v3  }
0x8d: {  	[tilespmem:v0+s8+$0x0] =	vst.idx.msk $0xffff, v1;
	v0 =	vor.u32 v28, v3  }
0x8e: {  	[tilespmem:v2+s8+$0x0] =	vst.idx.msk $0xffff, v1;
	v2 =	vor.u32 v29, v3  }
0x8f: {  	[tilespmem:v5+s8+$0x0] =	vst.idx.msk $0xffff, v1;
	v5 =	vor.u32 v30, v3  }
0x90: {  	[tilespmem:v6+s8+$0x0] =	vst.idx.msk $0xffff, v1;
	v6 =	vor.u32 v31, v3  }
0x91: {  	[tilespmem:v4+s8+$0x0] =	vst.idx.msk $0xffff, v1;
	v4 =	vor.u32 v32, v3  }
0x92: {  	[tilespmem:v0+s8+$0x0] =	vst.idx.msk $0xffff, v1;
	v0 =	vor.u32 v33, v3  }
0x93: {  	[tilespmem:v2+s8+$0x0] =	vst.idx.msk $0xffff, v1;
	v2 =	vor.u32 v34, v3  }
0x94: {  	[tilespmem:v5+s8+$0x0] =	vst.idx.msk $0xffff, v1;
	v5 =	vor.u32 v35, v3  }
0x95: {  	[tilespmem:v6+s8+$0x0] =	vst.idx.msk $0xffff, v1;
	v6 =	vor.u32 v36, v3  }
0x96: {  	[tilespmem:v4+s8+$0x0] =	vst.idx.msk $0xffff, v1;
	v4 =	vor.u32 v37, v3  }
0x97: {  	[tilespmem:v0+s8+$0x0] =	vst.idx.msk $0xffff, v1;
	v0 =	vor.u32 v38, v3  }
0x98: {  	[tilespmem:v2+s8+$0x0] =	vst.idx.msk $0xffff, v1;
	v2 =	vor.u32 v39, v3  }
0x99: {  	[tilespmem:v5+s8+$0x0] =	vst.idx.msk $0xffff, v1;
	v5 =	vor.u32 v40, v3  }
0x9a: {  	[tilespmem:v6+s8+$0x0] =	vst.idx.msk $0xffff, v1;
	v6 =	vor.u32 v41, v3  }
0x9b: {  	[tilespmem:v4+s8+$0x0] =	vst.idx.msk $0xffff, v1;
	v4 =	vor.u32 v42, v3  }
0x9c: {  	[tilespmem:v0+s8+$0x0] =	vst.idx.msk $0xffff, v1;
	v0 =	vor.u32 v43, v3  }
0x9d: {  	[tilespmem:v2+s8+$0x0] =	vst.idx.msk $0xffff, v1;
	v2 =	vor.u32 v44, v3  }
0x9e: {  	[tilespmem:v5+s8+$0x0] =	vst.idx.msk $0xffff, v1;
	v5 =	vor.u32 v45, v3  }
0x9f: {  	[tilespmem:v6+s8+$0x0] =	vst.idx.msk $0xffff, v1;
	v6 =	vor.u32 v46, v3  }
0xa0: {  	[tilespmem:v4+s8+$0x0] =	vst.idx.msk $0xffff, v1;
	v4 =	vor.u32 v47, v3  }
0xa1: {  	[tilespmem:v0+s8+$0x0] =	vst.idx.msk $0xffff, v1;
	v0 =	vor.u32 v48, v3  }
0xa2: {  	[tilespmem:v2+s8+$0x0] =	vst.idx.msk $0xffff, v1;
	v2 =	vor.u32 v49, v3  }
0xa3: {  	[tilespmem:v5+s8+$0x0] =	vst.idx.msk $0xffff, v1;
	v5 =	vor.u32 v50, v3  }
0xa4: {  	[tilespmem:v6+s8+$0x0] =	vst.idx.msk $0xffff, v1;
	v6 =	vor.u32 v51, v3  }
0xa5: {  	[tilespmem:v4+s8+$0x0] =	vst.idx.msk $0xffff, v1;
	v4 =	vor.u32 v52, v3  }
0xa6: {  	[tilespmem:v0+s8+$0x0] =	vst.idx.msk $0xffff, v1;
	v0 =	vor.u32 v53, v3  }
0xa7: {  	[tilespmem:v2+s8+$0x0] =	vst.idx.msk $0xffff, v1;
	v2 =	vor.u32 v54, v3  }
0xa8: {  	[tilespmem:v5+s8+$0x0] =	vst.idx.msk $0xffff, v1;
	v5 =	vor.u32 v55, v3  }
0xa9: {  	[tilespmem:v6+s8+$0x0] =	vst.idx.msk $0xffff, v1;
	v6 =	vor.u32 v56, v3  }
0xaa: {  	[tilespmem:v4+s8+$0x0] =	vst.idx.msk $0xffff, v1;
	v4 =	vor.u32 v57, v3  }
0xab: {  	[tilespmem:v0+s8+$0x0] =	vst.idx.msk $0xffff, v1;
	v0 =	vor.u32 v58, v3  }
0xac: {  	[tilespmem:v2+s8+$0x0] =	vst.idx.msk $0xffff, v1;
	v2 =	vor.u32 v59, v3  }
0xad: {  	[tilespmem:v5+s8+$0x0] =	vst.idx.msk $0xffff, v1;
	v5 =	vor.u32 v60, v3  }
0xae: {  	[tilespmem:v6+s8+$0x0] =	vst.idx.msk $0xffff, v1  }
0xaf: {  	[tilespmem:v4+s8+$0x0] =	vst.idx.msk $0xffff, v1  }
0xb0: {  	[tilespmem:v0+s8+$0x0] =	vst.idx.msk $0xffff, v1;
	v0 =	vld [tilespmem:$0x1FFB0]  }
0xb1: {  	[tilespmem:v2+s8+$0x0] =	vst.idx.msk $0xffff, v1  }
0xb2: {  	[tilespmem:v5+s8+$0x0] =	vst.idx.msk $0xffff, v1;
	v5 =	vld [tilespmem:$0x1FFA0];
	_ =	sdelay $0x1  }
0xb3: {  	v6 =	vor.u32 v61, v3;
	v2 =	vld [tilespmem:$0x1FF00]  }
0xb4: {  	v4 =	vor.u32 v62, v3;
	v8 =	vor.u32 v0, v3;
	v0 =	vld [tilespmem:$0x1FEF0];
	_ =	sdelay $0x1  }
0xb5: {  	v7 =	vor.u32 v5, v3;
	v5 =	vld [tilespmem:$0x1FFC0];
	_ =	sdelay $0x1  }
0xb6: {  	[tilespmem:v6+s8+$0x0] =	vst.idx.msk $0xffff, v1  }
0xb7: {  	v14 =	vmov v10;
	[tilespmem:v4+s8+$0x0] =	vst.idx.msk $0xffff, v1;
	v2 =	vor.u32 v2, v0  }
0xb8: {  	v12 =	vmov v63;
	[tilespmem:v8+s8+$0x0] =	vst.idx.msk $0xffff, v1;
	v0 =	vor.u32 v13, v2;
	v4 =	vor.u32 v9, v2  }
0xb9: {  	s13 =	simm.s32 $0x2;
	v13 =	vmovc v9;
	v6 =	vor.u32 v5, v3;
	v3 =	vor.u32 v10, v2;
	v5 =	vor.u32 v63, v2  }
.LBB2_2:
0xba: {  	v8 =	vmov s13;
	v63 =	vmovc v62;
	v62 =	vmovc v61;
	v61 =	vmov v60;
	v60 =	vmov v59  }
0xbb: {  	v59 =	vmovc v58;
	v58 =	vmovc v57;
	v57 =	vmov v56;
	v56 =	vmov v55;
	v55 =	vmov v54  }
0xbc: {  	v54 =	vmovc v53;
	v53 =	vmovc v52;
	v52 =	vmov v51;
	v51 =	vmov v50;
	v50 =	vmov v49  }
0xbd: {  	v49 =	vmovc v48;
	v48 =	vmovc v47;
	v47 =	vmov v46;
	v46 =	vmov v45;
	v45 =	vmov v44  }
0xbe: {  	[tilespmem:v7+s8+$0x0] =	vst.idx.msk $0xffff, v1;
	v7 =	vld [tilespmem:$0x1FF60];
	v44 =	vmovc v43;
	v43 =	vmovc v42;
	v42 =	vmov v41;
	v41 =	vmov v40;
	v40 =	vmov v39  }
0xbf: {  	v39 =	vmovc v38;
	v38 =	vmovc v37;
	v37 =	vmov v36;
	v36 =	vmov v35;
	v35 =	vmov v34;
	[tilespmem:v6+s8+$0x0] =	vst.idx.msk $0xffff, v1;
	v6 =	vld [tilespmem:$0x1FF90]  }
0xc0: {  	v34 =	vmovc v33;
	v33 =	vmovc v32;
	v32 =	vmov v31;
	v31 =	vmov v30;
	v30 =	vmov v29;
	[tilespmem:v3+s8+$0x0] =	vst.idx.msk $0xffff, v1;
	v3 =	vld [tilespmem:$0x1FF50]  }
0xc1: {  	v29 =	vmovc v28;
	v28 =	vmovc v27;
	v27 =	vmov v26;
	v26 =	vmov v25;
	v25 =	vmov v24  }
0xc2: {  	v24 =	vmovc v23;
	v23 =	vmovc v22;
	v22 =	vmov v21;
	v21 =	vmov v20;
	v9 =	vshll.u32 v8, $0xA  }
0xc3: {  	v20 =	vmovc v19;
	v19 =	vmovc v18;
	v18 =	vmov v17;
	v8 =	vshll.u32 v8, $0x7;
	v10 =	vand.u32 $0x6000, v9  }
0xc4: {  	v17 =	vmovc v16;
	v16 =	vmovc v15;
	v8 =	vand.u32 $0x380, v8;
	v7 =	vor.u32 v7, v2;
	v6 =	vor.u32 v6, v2  }
0xc5: {  	v15 =	vmovc v11;
	v11 =	vor.u32 v3, v2;
	v3 =	vor.u32 v8, v10;
	v2 =	vor.u32 v8, v9;
	v8 =	vld [tilespmem:$0x1FF40];
	_ =	sdelay $0x3  }
0xc6: {  	[tilespmem:v5+s8+$0x0] =	vst.idx.msk $0xffff, v1  }
0xc7: {  	[tilespmem:v4+s8+$0x0] =	vst.idx.msk $0xffff, v1;
	v4 =	vld [tilespmem:$0x1FFD0];
	v8 =	vor.u32 v8, v2  }
0xc8: {  	[tilespmem:v0+s8+$0x0] =	vst.idx.msk $0xffff, v1;
	v0 =	vmov v8;
	v8 =	vld [tilespmem:$0x1FFE0]  }
0xc9: {  	[tilespmem:v6+s8+$0x0] =	vst.idx.msk $0xffff, v1;
	v6 =	vld [tilespmem:$0x1FFF0]  }
0xca: {  	v5 =	vlaneseq.u32  }
0xcb: {  	v5 =	vor.u32 v5, v3  }
0xcc: {  	v4 =	vor.u32 v4, v3  }
0xcd: {  	v8 =	vor.u32 v8, v3  }
0xce: {  	[tilespmem:v11+s8+$0x0] =	vst.idx.msk $0xffff, v1;
	v11 =	vmov v15;
	v6 =	vor.u32 v6, v3  }
0xcf: {  	v15 =	vmov v16;
	v9 =	vor.u32 v11, v3;
	[tilespmem:v7+s8+$0x0] =	vst.idx.msk $0xff, v1  }
0xd0: {  	v16 =	vmov v17;
	[tilespmem:v5+s8+$0x0] =	vst.idx.msk $0xffff, v1;
	v5 =	vor.u32 v15, v3  }
0xd1: {  	v17 =	vmov v18;
	[tilespmem:v4+s8+$0x0] =	vst.idx.msk $0xffff, v1;
	v4 =	vor.u32 v16, v3  }
0xd2: {  	v18 =	vmov v19;
	v7 =	vor.u32 v17, v3;
	[tilespmem:v8+s8+$0x0] =	vst.idx.msk $0xffff, v1  }
0xd3: {  	v19 =	vmov v20;
	[tilespmem:v6+s8+$0x0] =	vst.idx.msk $0xffff, v1;
	v6 =	vor.u32 v18, v3  }
0xd4: {  	v20 =	vmov v21;
	v8 =	vor.u32 v19, v3;
	[tilespmem:v9+s8+$0x0] =	vst.idx.msk $0xffff, v1  }
0xd5: {  	v21 =	vmov v22;
	[tilespmem:v5+s8+$0x0] =	vst.idx.msk $0xffff, v1;
	v5 =	vor.u32 v20, v3  }
0xd6: {  	v22 =	vmov v23;
	[tilespmem:v4+s8+$0x0] =	vst.idx.msk $0xffff, v1;
	v4 =	vor.u32 v21, v3  }
0xd7: {  	v23 =	vmov v24;
	[tilespmem:v7+s8+$0x0] =	vst.idx.msk $0xffff, v1;
	v7 =	vor.u32 v22, v3  }
0xd8: {  	v24 =	vmov v25;
	[tilespmem:v6+s8+$0x0] =	vst.idx.msk $0xffff, v1;
	v6 =	vor.u32 v23, v3  }
0xd9: {  	v25 =	vmov v26;
	[tilespmem:v8+s8+$0x0] =	vst.idx.msk $0xffff, v1;
	v8 =	vor.u32 v24, v3  }
0xda: {  	v26 =	vmov v27;
	[tilespmem:v5+s8+$0x0] =	vst.idx.msk $0xffff, v1;
	v5 =	vor.u32 v25, v3  }
0xdb: {  	v27 =	vmov v28;
	[tilespmem:v4+s8+$0x0] =	vst.idx.msk $0xffff, v1;
	v4 =	vor.u32 v26, v3  }
0xdc: {  	v28 =	vmov v29;
	[tilespmem:v7+s8+$0x0] =	vst.idx.msk $0xffff, v1;
	v7 =	vor.u32 v27, v3  }
0xdd: {  	v29 =	vmov v30;
	[tilespmem:v6+s8+$0x0] =	vst.idx.msk $0xffff, v1;
	v6 =	vor.u32 v28, v3  }
0xde: {  	v30 =	vmov v31;
	[tilespmem:v8+s8+$0x0] =	vst.idx.msk $0xffff, v1;
	v8 =	vor.u32 v29, v3  }
0xdf: {  	v31 =	vmov v32;
	[tilespmem:v5+s8+$0x0] =	vst.idx.msk $0xffff, v1;
	v5 =	vor.u32 v30, v3  }
0xe0: {  	v32 =	vmov v33;
	[tilespmem:v4+s8+$0x0] =	vst.idx.msk $0xffff, v1;
	v4 =	vor.u32 v31, v3  }
0xe1: {  	v33 =	vmov v34;
	[tilespmem:v7+s8+$0x0] =	vst.idx.msk $0xffff, v1;
	v7 =	vor.u32 v32, v3  }
0xe2: {  	v34 =	vmov v35;
	[tilespmem:v6+s8+$0x0] =	vst.idx.msk $0xffff, v1;
	v6 =	vor.u32 v33, v3  }
0xe3: {  	v35 =	vmov v36;
	[tilespmem:v8+s8+$0x0] =	vst.idx.msk $0xffff, v1;
	v8 =	vor.u32 v34, v3  }
0xe4: {  	v36 =	vmov v37;
	[tilespmem:v5+s8+$0x0] =	vst.idx.msk $0xffff, v1;
	v5 =	vor.u32 v35, v3  }
0xe5: {  	v37 =	vmov v38;
	[tilespmem:v4+s8+$0x0] =	vst.idx.msk $0xffff, v1;
	v4 =	vor.u32 v36, v3  }
0xe6: {  	v38 =	vmov v39;
	[tilespmem:v7+s8+$0x0] =	vst.idx.msk $0xffff, v1;
	v7 =	vor.u32 v37, v3  }
0xe7: {  	v39 =	vmov v40;
	[tilespmem:v6+s8+$0x0] =	vst.idx.msk $0xffff, v1;
	v6 =	vor.u32 v38, v3  }
0xe8: {  	v40 =	vmov v41;
	[tilespmem:v8+s8+$0x0] =	vst.idx.msk $0xffff, v1;
	v8 =	vor.u32 v39, v3  }
0xe9: {  	v41 =	vmov v42;
	[tilespmem:v5+s8+$0x0] =	vst.idx.msk $0xffff, v1;
	v5 =	vor.u32 v40, v3  }
0xea: {  	v42 =	vmov v43;
	[tilespmem:v4+s8+$0x0] =	vst.idx.msk $0xffff, v1;
	v4 =	vor.u32 v41, v3  }
0xeb: {  	v43 =	vmov v44;
	[tilespmem:v7+s8+$0x0] =	vst.idx.msk $0xffff, v1;
	v7 =	vor.u32 v42, v3  }
0xec: {  	v44 =	vmov v45;
	[tilespmem:v6+s8+$0x0] =	vst.idx.msk $0xffff, v1;
	v6 =	vor.u32 v43, v3  }
0xed: {  	v45 =	vmov v46;
	[tilespmem:v8+s8+$0x0] =	vst.idx.msk $0xffff, v1;
	v8 =	vor.u32 v44, v3  }
0xee: {  	v46 =	vmov v47;
	[tilespmem:v5+s8+$0x0] =	vst.idx.msk $0xffff, v1;
	v5 =	vor.u32 v45, v3  }
0xef: {  	v47 =	vmov v48;
	[tilespmem:v4+s8+$0x0] =	vst.idx.msk $0xffff, v1;
	v4 =	vor.u32 v46, v3  }
0xf0: {  	v48 =	vmov v49;
	[tilespmem:v7+s8+$0x0] =	vst.idx.msk $0xffff, v1;
	v7 =	vor.u32 v47, v3  }
0xf1: {  	v49 =	vmov v50;
	[tilespmem:v6+s8+$0x0] =	vst.idx.msk $0xffff, v1;
	v6 =	vor.u32 v48, v3  }
0xf2: {  	v50 =	vmov v51;
	[tilespmem:v8+s8+$0x0] =	vst.idx.msk $0xffff, v1;
	v8 =	vor.u32 v49, v3  }
0xf3: {  	v51 =	vmov v52;
	[tilespmem:v5+s8+$0x0] =	vst.idx.msk $0xffff, v1;
	v5 =	vor.u32 v50, v3  }
0xf4: {  	v52 =	vmov v53;
	[tilespmem:v4+s8+$0x0] =	vst.idx.msk $0xffff, v1;
	v4 =	vor.u32 v51, v3  }
0xf5: {  	v53 =	vmov v54;
	[tilespmem:v7+s8+$0x0] =	vst.idx.msk $0xffff, v1;
	v7 =	vor.u32 v52, v3  }
0xf6: {  	v54 =	vmov v55;
	[tilespmem:v6+s8+$0x0] =	vst.idx.msk $0xffff, v1;
	v6 =	vor.u32 v53, v3  }
0xf7: {  	v55 =	vmov v56;
	[tilespmem:v8+s8+$0x0] =	vst.idx.msk $0xffff, v1;
	v8 =	vor.u32 v54, v3  }
0xf8: {  	v56 =	vmov v57;
	[tilespmem:v5+s8+$0x0] =	vst.idx.msk $0xffff, v1;
	v5 =	vor.u32 v55, v3  }
0xf9: {  	v57 =	vmov v58;
	[tilespmem:v4+s8+$0x0] =	vst.idx.msk $0xffff, v1;
	v4 =	vor.u32 v56, v3  }
0xfa: {  	v58 =	vmov v59;
	[tilespmem:v7+s8+$0x0] =	vst.idx.msk $0xffff, v1;
	v7 =	vor.u32 v57, v3  }
0xfb: {  	[tilespmem:v6+s8+$0x0] =	vst.idx.msk $0xffff, v1;
	v6 =	vor.u32 v58, v3  }
0xfc: {  	[tilespmem:v8+s8+$0x0] =	vst.idx.msk $0xffff, v1  }
0xfd: {  	v59 =	vmov v60;
	[tilespmem:v5+s8+$0x0] =	vst.idx.msk $0xffff, v1  }
0xfe: {  	v60 =	vmov v61;
	v8 =	vor.u32 v59, v3;
	[tilespmem:v4+s8+$0x0] =	vst.idx.msk $0xffff, v1  }
0xff: {  	v5 =	vor.u32 v60, v3;
	[tilespmem:v7+s8+$0x0] =	vst.idx.msk $0xffff, v1  }
0x100: {  	[tilespmem:v6+s8+$0x0] =	vst.idx.msk $0xffff, v1;
	v6 =	vld [tilespmem:$0x1FFB0];
	_ =	sdelay $0x2  }
0x101: {  	v61 =	vmov v62;
	[tilespmem:v8+s8+$0x0] =	vst.idx.msk $0xffff, v1  }
0x102: {  	v4 =	vor.u32 v61, v3;
	[tilespmem:v5+s8+$0x0] =	vst.idx.msk $0xffff, v1;
	v5 =	vld [tilespmem:$0x1FFC0]  }
0x103: {  	v9 =	vor.u32 v63, v3;
	v10 =	vor.u32 v6, v3;
	v6 =	vld [tilespmem:$0x1FFA0]  }
0x104: {  	p0 =	sne.s32 s13, $0x19  }
.Ltmp2:
0x105: {  	_ = 	snop;
	(pc) =	sbr.rel @p0 .LBB2_2-.Ltmp2, $4  }
0x106: {  	_ = 	snop  }
0x107: {  	[tilespmem:v4+s8+$0x0] =	vst.idx.msk $0xffff, v1;
	v4 =	vor.u32 v13, v2  }
0x108: {  	[tilespmem:v9+s8+$0x0] =	vst.idx.msk $0xffff, v1;
	v7 =	vor.u32 v6, v3;
	v6 =	vor.u32 v5, v3  }
0x109: {  	s13 =	sadd.s32 $0x1, s13;
	v62 =	vmov v63;
	v3 =	vor.u32 v14, v2;
	v5 =	vor.u32 v12, v2;
	[tilespmem:v10+s8+$0x0] =	vst.idx.msk $0xffff, v1  }
0x10a: {  	_ =	sdelay $0x3  }
0x10b: {  	[tilespmem:v7+s8+$0x0] =	vst.idx.msk $0xffff, v1  }
0x10c: {  	[tilespmem:v6+s8+$0x0] =	vst.idx.msk $0xffff, v1;
	v6 =	vld [tilespmem:$0x1FF90]  }
0x10d: {  	[tilespmem:v3+s8+$0x0] =	vst.idx.msk $0xffff, v1;
	v3 =	vld [tilespmem:$0x1FF50];
	_ =	sdelay $0x3  }
0x10e: {  	v6 =	vor.u32 v6, v2  }
0x10f: {  	v3 =	vor.u32 v3, v2  }
0x110: {  	[tilespmem:v5+s8+$0x0] =	vst.idx.msk $0xffff, v1;
	v5 =	vld [tilespmem:$0x1FF60]  }
0x111: {  	s13 =	simm.s32 $0x0;
	[tilespmem:v4+s8+$0x0] =	vst.idx.msk $0xffff, v1  }
0x112: {  	v7 =	vmov s13;
	[tilespmem:v0+s8+$0x0] =	vst.idx.msk $0xffff, v1;
	v0 =	vld [tilespmem:$0x1FFD0]  }
0x113: {  	v8 =	vshll.u32 v7, $0xA;
	v7 =	vshll.u32 v7, $0x7;
	[tilespmem:v6+s8+$0x0] =	vst.idx.msk $0xffff, v1;
	v6 =	vld [tilespmem:$0x1FFE0]  }
0x114: {  	v9 =	vand.u32 $0x6000, v8;
	v7 =	vand.u32 $0x380, v7;
	[tilespmem:v3+s8+$0x0] =	vst.idx.msk $0xffff, v1;
	v3 =	vld [tilespmem:$0x1FFF0]  }
0x115: {  	v4 =	vlaneseq.u32;
	v2 =	vor.u32 v5, v2;
	v5 =	vor.u32 v7, v9  }
0x116: {  	v4 =	vor.u32 v4, v5  }
0x117: {  	v0 =	vor.u32 v0, v5  }
0x118: {  	v6 =	vor.u32 v6, v5  }
0x119: {  	v3 =	vor.u32 v3, v5  }
0x11a: {  	[tilespmem:v2+s8+$0x0] =	vst.idx.msk $0xff, v1;
	v2 =	vor.u32 v11, v5  }
0x11b: {  	[tilespmem:v4+s9+$0x0] =	vst.idx.msk $0xffff, v1;
	v4 =	vor.u32 v15, v5  }
0x11c: {  	[tilespmem:v0+s9+$0x0] =	vst.idx.msk $0xffff, v1;
	v0 =	vor.u32 v16, v5  }
0x11d: {  	[tilespmem:v6+s9+$0x0] =	vst.idx.msk $0xffff, v1;
	v6 =	vor.u32 v17, v5  }
0x11e: {  	[tilespmem:v3+s9+$0x0] =	vst.idx.msk $0xffff, v1;
	v3 =	vor.u32 v18, v5  }
0x11f: {  	[tilespmem:v2+s9+$0x0] =	vst.idx.msk $0xffff, v1;
	v2 =	vor.u32 v19, v5  }
0x120: {  	[tilespmem:v4+s9+$0x0] =	vst.idx.msk $0xffff, v1;
	v4 =	vor.u32 v20, v5  }
0x121: {  	[tilespmem:v0+s9+$0x0] =	vst.idx.msk $0xffff, v1;
	v0 =	vor.u32 v21, v5  }
0x122: {  	[tilespmem:v6+s9+$0x0] =	vst.idx.msk $0xffff, v1;
	v6 =	vor.u32 v22, v5  }
0x123: {  	[tilespmem:v3+s9+$0x0] =	vst.idx.msk $0xffff, v1;
	v3 =	vor.u32 v23, v5  }
0x124: {  	[tilespmem:v2+s9+$0x0] =	vst.idx.msk $0xffff, v1;
	v2 =	vor.u32 v24, v5  }
0x125: {  	[tilespmem:v4+s9+$0x0] =	vst.idx.msk $0xffff, v1;
	v4 =	vor.u32 v25, v5  }
0x126: {  	[tilespmem:v0+s9+$0x0] =	vst.idx.msk $0xffff, v1;
	v0 =	vor.u32 v26, v5  }
0x127: {  	[tilespmem:v6+s9+$0x0] =	vst.idx.msk $0xffff, v1;
	v6 =	vor.u32 v27, v5  }
0x128: {  	[tilespmem:v3+s9+$0x0] =	vst.idx.msk $0xffff, v1;
	v3 =	vor.u32 v28, v5  }
0x129: {  	[tilespmem:v2+s9+$0x0] =	vst.idx.msk $0xffff, v1;
	v2 =	vor.u32 v29, v5  }
0x12a: {  	[tilespmem:v4+s9+$0x0] =	vst.idx.msk $0xffff, v1;
	v4 =	vor.u32 v30, v5  }
0x12b: {  	[tilespmem:v0+s9+$0x0] =	vst.idx.msk $0xffff, v1;
	v0 =	vor.u32 v31, v5  }
0x12c: {  	[tilespmem:v6+s9+$0x0] =	vst.idx.msk $0xffff, v1;
	v6 =	vor.u32 v32, v5  }
0x12d: {  	[tilespmem:v3+s9+$0x0] =	vst.idx.msk $0xffff, v1;
	v3 =	vor.u32 v33, v5  }
0x12e: {  	[tilespmem:v2+s9+$0x0] =	vst.idx.msk $0xffff, v1;
	v2 =	vor.u32 v34, v5  }
0x12f: {  	[tilespmem:v4+s9+$0x0] =	vst.idx.msk $0xffff, v1;
	v4 =	vor.u32 v35, v5  }
0x130: {  	[tilespmem:v0+s9+$0x0] =	vst.idx.msk $0xffff, v1;
	v0 =	vor.u32 v36, v5  }
0x131: {  	[tilespmem:v6+s9+$0x0] =	vst.idx.msk $0xffff, v1;
	v6 =	vor.u32 v37, v5  }
0x132: {  	[tilespmem:v3+s9+$0x0] =	vst.idx.msk $0xffff, v1;
	v3 =	vor.u32 v38, v5  }
0x133: {  	[tilespmem:v2+s9+$0x0] =	vst.idx.msk $0xffff, v1;
	v2 =	vor.u32 v39, v5  }
0x134: {  	[tilespmem:v4+s9+$0x0] =	vst.idx.msk $0xffff, v1;
	v4 =	vor.u32 v40, v5  }
0x135: {  	[tilespmem:v0+s9+$0x0] =	vst.idx.msk $0xffff, v1;
	v0 =	vor.u32 v41, v5  }
0x136: {  	[tilespmem:v6+s9+$0x0] =	vst.idx.msk $0xffff, v1;
	v6 =	vor.u32 v42, v5  }
0x137: {  	[tilespmem:v3+s9+$0x0] =	vst.idx.msk $0xffff, v1;
	v3 =	vor.u32 v43, v5  }
0x138: {  	[tilespmem:v2+s9+$0x0] =	vst.idx.msk $0xffff, v1;
	v2 =	vor.u32 v44, v5  }
0x139: {  	[tilespmem:v4+s9+$0x0] =	vst.idx.msk $0xffff, v1;
	v4 =	vor.u32 v45, v5  }
0x13a: {  	[tilespmem:v0+s9+$0x0] =	vst.idx.msk $0xffff, v1;
	v0 =	vor.u32 v46, v5  }
0x13b: {  	[tilespmem:v6+s9+$0x0] =	vst.idx.msk $0xffff, v1;
	v6 =	vor.u32 v47, v5  }
0x13c: {  	[tilespmem:v3+s9+$0x0] =	vst.idx.msk $0xffff, v1;
	v3 =	vor.u32 v48, v5  }
0x13d: {  	[tilespmem:v2+s9+$0x0] =	vst.idx.msk $0xffff, v1;
	v2 =	vor.u32 v49, v5  }
0x13e: {  	[tilespmem:v4+s9+$0x0] =	vst.idx.msk $0xffff, v1;
	v4 =	vor.u32 v50, v5  }
0x13f: {  	[tilespmem:v0+s9+$0x0] =	vst.idx.msk $0xffff, v1;
	v0 =	vor.u32 v51, v5  }
0x140: {  	[tilespmem:v6+s9+$0x0] =	vst.idx.msk $0xffff, v1;
	v6 =	vor.u32 v52, v5  }
0x141: {  	[tilespmem:v3+s9+$0x0] =	vst.idx.msk $0xffff, v1;
	v3 =	vor.u32 v53, v5  }
0x142: {  	[tilespmem:v2+s9+$0x0] =	vst.idx.msk $0xffff, v1;
	v2 =	vor.u32 v54, v5  }
0x143: {  	[tilespmem:v4+s9+$0x0] =	vst.idx.msk $0xffff, v1;
	v4 =	vor.u32 v55, v5  }
0x144: {  	[tilespmem:v0+s9+$0x0] =	vst.idx.msk $0xffff, v1  }
0x145: {  	v9 =	vor.u32 v61, v5;
	v10 =	vor.u32 v62, v5;
	[tilespmem:v6+s9+$0x0] =	vst.idx.msk $0xffff, v1  }
0x146: {  	v63 =	vmov v62;
	v0 =	vor.u32 v56, v5;
	v6 =	vor.u32 v57, v5;
	[tilespmem:v3+s9+$0x0] =	vst.idx.msk $0xffff, v1  }
0x147: {  	v62 =	vmov v61;
	v3 =	vor.u32 v58, v5;
	[tilespmem:v2+s9+$0x0] =	vst.idx.msk $0xffff, v1;
	v2 =	vor.u32 v59, v5  }
0x148: {  	v61 =	vmovc v60;
	[tilespmem:v4+s9+$0x0] =	vst.idx.msk $0xffff, v1;
	v4 =	vor.u32 v60, v5;
	v60 =	vmov v59;
	v59 =	vmov v58  }
0x149: {  	v58 =	vmovc v57;
	v57 =	vmovc v56;
	v56 =	vmov v55;
	v55 =	vmov v54;
	v54 =	vmov v53  }
0x14a: {  	v53 =	vmovc v52;
	v52 =	vmovc v51;
	v51 =	vmov v50;
	v50 =	vmov v49;
	v49 =	vmov v48  }
0x14b: {  	v48 =	vmovc v47;
	v47 =	vmovc v46;
	v46 =	vmov v45;
	v45 =	vmov v44;
	v44 =	vmov v43;
	[tilespmem:v0+s9+$0x0] =	vst.idx.msk $0xffff, v1  }
0x14c: {  	v43 =	vmovc v42;
	v42 =	vmovc v41;
	v41 =	vmov v40;
	v40 =	vmov v39;
	v39 =	vmov v38;
	v0 =	vld [tilespmem:$0x1FFB0];
	[tilespmem:v6+s9+$0x0] =	vst.idx.msk $0xffff, v1  }
0x14d: {  	v38 =	vmovc v37;
	v37 =	vmovc v36;
	v36 =	vmov v35;
	v35 =	vmov v34;
	v34 =	vmov v33;
	[tilespmem:v3+s9+$0x0] =	vst.idx.msk $0xffff, v1;
	v3 =	vld [tilespmem:$0x1FFA0]  }
0x14e: {  	v33 =	vmovc v32;
	v32 =	vmovc v31;
	v31 =	vmov v30;
	v30 =	vmov v29;
	v29 =	vmov v28  }
0x14f: {  	v28 =	vmovc v27;
	v27 =	vmovc v26;
	v26 =	vmov v25;
	v25 =	vmov v24;
	v24 =	vmov v23  }
0x150: {  	v23 =	vmovc v22;
	v22 =	vmovc v21;
	v21 =	vmov v20;
	v20 =	vmov v19;
	v19 =	vmov v18  }
0x151: {  	v18 =	vmovc v17;
	v17 =	vmovc v16;
	v16 =	vmov v15;
	v15 =	vmov v11;
	v11 =	vor.u32 v0, v5;
	v0 =	vld [tilespmem:$0x1FF40]  }
0x152: {  	[tilespmem:v2+s9+$0x0] =	vst.idx.msk $0xffff, v1;
	v2 =	vor.u32 v7, v8;
	v7 =	vor.u32 v3, v5;
	v3 =	vld [tilespmem:$0x1FFC0]  }
0x153: {  	[tilespmem:v4+s9+$0x0] =	vst.idx.msk $0xffff, v1  }
0x154: {  	[tilespmem:v9+s9+$0x0] =	vst.idx.msk $0xffff, v1  }
0x155: {  	[tilespmem:v10+s9+$0x0] =	vst.idx.msk $0xffff, v1  }
0x156: {  	v4 =	vor.u32 v12, v2;
	v0 =	vor.u32 v0, v2;
	[tilespmem:v11+s9+$0x0] =	vst.idx.msk $0xffff, v1  }
0x157: {  	s14 =	simm.s32 $0x1;
	v6 =	vor.u32 v3, v5;
	v3 =	vor.u32 v14, v2;
	v5 =	vor.u32 v13, v2  }
.LBB2_4:
0x158: {  	_ =	sdelay $0x2  }
0x159: {  	[tilespmem:v7+s9+$0x0] =	vst.idx.msk $0xffff, v1;
	v7 =	vld [tilespmem:$0x1FF60]  }
0x15a: {  	[tilespmem:v6+s9+$0x0] =	vst.idx.msk $0xffff, v1;
	v6 =	vld [tilespmem:$0x1FF90]  }
0x15b: {  	[tilespmem:v3+s9+$0x0] =	vst.idx.msk $0xffff, v1;
	v3 =	vld [tilespmem:$0x1FF50]  }
0x15c: {  	v8 =	vmov s14  }
0x15d: {  	v9 =	vshll.u32 v8, $0xA  }
0x15e: {  	v8 =	vshll.u32 v8, $0x7;
	v10 =	vand.u32 $0x6000, v9  }
0x15f: {  	v8 =	vand.u32 $0x380, v8;
	v7 =	vor.u32 v7, v2;
	v6 =	vor.u32 v6, v2  }
0x160: {  	v11 =	vor.u32 v3, v2;
	v3 =	vor.u32 v8, v10;
	v2 =	vor.u32 v8, v9;
	v8 =	vld [tilespmem:$0x1FF40];
	_ =	sdelay $0x3  }
0x161: {  	[tilespmem:v4+s9+$0x0] =	vst.idx.msk $0xffff, v1  }
0x162: {  	[tilespmem:v5+s9+$0x0] =	vst.idx.msk $0xffff, v1;
	v5 =	vld [tilespmem:$0x1FFD0];
	v8 =	vor.u32 v8, v2  }
0x163: {  	[tilespmem:v0+s9+$0x0] =	vst.idx.msk $0xffff, v1;
	v0 =	vmov v8;
	v8 =	vld [tilespmem:$0x1FFE0]  }
0x164: {  	[tilespmem:v6+s9+$0x0] =	vst.idx.msk $0xffff, v1;
	v6 =	vld [tilespmem:$0x1FFF0]  }
0x165: {  	v4 =	vlaneseq.u32  }
0x166: {  	v4 =	vor.u32 v4, v3  }
0x167: {  	v5 =	vor.u32 v5, v3  }
0x168: {  	v8 =	vor.u32 v8, v3  }
0x169: {  	[tilespmem:v11+s9+$0x0] =	vst.idx.msk $0xffff, v1;
	v6 =	vor.u32 v6, v3  }
0x16a: {  	v9 =	vor.u32 v15, v3;
	[tilespmem:v7+s9+$0x0] =	vst.idx.msk $0xff, v1  }
0x16b: {  	[tilespmem:v4+s9+$0x0] =	vst.idx.msk $0xffff, v1;
	v4 =	vor.u32 v16, v3  }
0x16c: {  	[tilespmem:v5+s9+$0x0] =	vst.idx.msk $0xffff, v1;
	v5 =	vor.u32 v17, v3  }
0x16d: {  	v7 =	vor.u32 v18, v3;
	[tilespmem:v8+s9+$0x0] =	vst.idx.msk $0xffff, v1  }
0x16e: {  	[tilespmem:v6+s9+$0x0] =	vst.idx.msk $0xffff, v1;
	v6 =	vor.u32 v19, v3  }
0x16f: {  	v8 =	vor.u32 v20, v3;
	[tilespmem:v9+s9+$0x0] =	vst.idx.msk $0xffff, v1  }
0x170: {  	[tilespmem:v4+s9+$0x0] =	vst.idx.msk $0xffff, v1;
	v4 =	vor.u32 v21, v3  }
0x171: {  	[tilespmem:v5+s9+$0x0] =	vst.idx.msk $0xffff, v1;
	v5 =	vor.u32 v22, v3  }
0x172: {  	[tilespmem:v7+s9+$0x0] =	vst.idx.msk $0xffff, v1;
	v7 =	vor.u32 v23, v3  }
0x173: {  	[tilespmem:v6+s9+$0x0] =	vst.idx.msk $0xffff, v1;
	v6 =	vor.u32 v24, v3  }
0x174: {  	[tilespmem:v8+s9+$0x0] =	vst.idx.msk $0xffff, v1;
	v8 =	vor.u32 v25, v3  }
0x175: {  	[tilespmem:v4+s9+$0x0] =	vst.idx.msk $0xffff, v1;
	v4 =	vor.u32 v26, v3  }
0x176: {  	[tilespmem:v5+s9+$0x0] =	vst.idx.msk $0xffff, v1;
	v5 =	vor.u32 v27, v3  }
0x177: {  	[tilespmem:v7+s9+$0x0] =	vst.idx.msk $0xffff, v1;
	v7 =	vor.u32 v28, v3  }
0x178: {  	[tilespmem:v6+s9+$0x0] =	vst.idx.msk $0xffff, v1;
	v6 =	vor.u32 v29, v3  }
0x179: {  	[tilespmem:v8+s9+$0x0] =	vst.idx.msk $0xffff, v1;
	v8 =	vor.u32 v30, v3  }
0x17a: {  	[tilespmem:v4+s9+$0x0] =	vst.idx.msk $0xffff, v1;
	v4 =	vor.u32 v31, v3  }
0x17b: {  	[tilespmem:v5+s9+$0x0] =	vst.idx.msk $0xffff, v1;
	v5 =	vor.u32 v32, v3  }
0x17c: {  	[tilespmem:v7+s9+$0x0] =	vst.idx.msk $0xffff, v1;
	v7 =	vor.u32 v33, v3  }
0x17d: {  	[tilespmem:v6+s9+$0x0] =	vst.idx.msk $0xffff, v1;
	v6 =	vor.u32 v34, v3  }
0x17e: {  	[tilespmem:v8+s9+$0x0] =	vst.idx.msk $0xffff, v1;
	v8 =	vor.u32 v35, v3  }
0x17f: {  	[tilespmem:v4+s9+$0x0] =	vst.idx.msk $0xffff, v1;
	v4 =	vor.u32 v36, v3  }
0x180: {  	[tilespmem:v5+s9+$0x0] =	vst.idx.msk $0xffff, v1;
	v5 =	vor.u32 v37, v3  }
0x181: {  	[tilespmem:v7+s9+$0x0] =	vst.idx.msk $0xffff, v1;
	v7 =	vor.u32 v38, v3  }
0x182: {  	[tilespmem:v6+s9+$0x0] =	vst.idx.msk $0xffff, v1;
	v6 =	vor.u32 v39, v3  }
0x183: {  	[tilespmem:v8+s9+$0x0] =	vst.idx.msk $0xffff, v1;
	v8 =	vor.u32 v40, v3  }
0x184: {  	[tilespmem:v4+s9+$0x0] =	vst.idx.msk $0xffff, v1;
	v4 =	vor.u32 v41, v3  }
0x185: {  	[tilespmem:v5+s9+$0x0] =	vst.idx.msk $0xffff, v1;
	v5 =	vor.u32 v42, v3  }
0x186: {  	[tilespmem:v7+s9+$0x0] =	vst.idx.msk $0xffff, v1;
	v7 =	vor.u32 v43, v3  }
0x187: {  	[tilespmem:v6+s9+$0x0] =	vst.idx.msk $0xffff, v1;
	v6 =	vor.u32 v44, v3  }
0x188: {  	[tilespmem:v8+s9+$0x0] =	vst.idx.msk $0xffff, v1;
	v8 =	vor.u32 v45, v3  }
0x189: {  	[tilespmem:v4+s9+$0x0] =	vst.idx.msk $0xffff, v1;
	v4 =	vor.u32 v46, v3  }
0x18a: {  	[tilespmem:v5+s9+$0x0] =	vst.idx.msk $0xffff, v1;
	v5 =	vor.u32 v47, v3  }
0x18b: {  	[tilespmem:v7+s9+$0x0] =	vst.idx.msk $0xffff, v1;
	v7 =	vor.u32 v48, v3  }
0x18c: {  	[tilespmem:v6+s9+$0x0] =	vst.idx.msk $0xffff, v1;
	v6 =	vor.u32 v49, v3  }
0x18d: {  	[tilespmem:v8+s9+$0x0] =	vst.idx.msk $0xffff, v1;
	v8 =	vor.u32 v50, v3  }
0x18e: {  	[tilespmem:v4+s9+$0x0] =	vst.idx.msk $0xffff, v1;
	v4 =	vor.u32 v51, v3  }
0x18f: {  	[tilespmem:v5+s9+$0x0] =	vst.idx.msk $0xffff, v1;
	v5 =	vor.u32 v52, v3  }
0x190: {  	[tilespmem:v7+s9+$0x0] =	vst.idx.msk $0xffff, v1;
	v7 =	vor.u32 v53, v3  }
0x191: {  	[tilespmem:v6+s9+$0x0] =	vst.idx.msk $0xffff, v1;
	v6 =	vor.u32 v54, v3  }
0x192: {  	[tilespmem:v8+s9+$0x0] =	vst.idx.msk $0xffff, v1;
	v8 =	vor.u32 v55, v3  }
0x193: {  	[tilespmem:v4+s9+$0x0] =	vst.idx.msk $0xffff, v1;
	v4 =	vor.u32 v56, v3  }
0x194: {  	[tilespmem:v5+s9+$0x0] =	vst.idx.msk $0xffff, v1;
	v5 =	vor.u32 v57, v3  }
0x195: {  	[tilespmem:v7+s9+$0x0] =	vst.idx.msk $0xffff, v1;
	v7 =	vor.u32 v58, v3  }
0x196: {  	[tilespmem:v6+s9+$0x0] =	vst.idx.msk $0xffff, v1;
	v6 =	vor.u32 v59, v3  }
0x197: {  	[tilespmem:v8+s9+$0x0] =	vst.idx.msk $0xffff, v1  }
0x198: {  	[tilespmem:v4+s9+$0x0] =	vst.idx.msk $0xffff, v1  }
0x199: {  	v8 =	vor.u32 v60, v3;
	[tilespmem:v5+s9+$0x0] =	vst.idx.msk $0xffff, v1  }
0x19a: {  	v4 =	vor.u32 v61, v3;
	[tilespmem:v7+s9+$0x0] =	vst.idx.msk $0xffff, v1  }
0x19b: {  	[tilespmem:v6+s9+$0x0] =	vst.idx.msk $0xffff, v1;
	v6 =	vld [tilespmem:$0x1FFB0];
	_ =	sdelay $0x2  }
0x19c: {  	[tilespmem:v8+s9+$0x0] =	vst.idx.msk $0xffff, v1  }
0x19d: {  	v5 =	vor.u32 v62, v3;
	[tilespmem:v4+s9+$0x0] =	vst.idx.msk $0xffff, v1;
	v4 =	vld [tilespmem:$0x1FFC0]  }
0x19e: {  	v9 =	vor.u32 v63, v3;
	v10 =	vor.u32 v6, v3;
	v6 =	vld [tilespmem:$0x1FFA0]  }
0x19f: {  	p0 =	sne.s32 s14, $0x19  }
.Ltmp3:
0x1a0: {  	_ = 	snop;
	(pc) =	sbr.rel @p0 .LBB2_4-.Ltmp3, $4  }
0x1a1: {  	_ = 	snop  }
0x1a2: {  	[tilespmem:v5+s9+$0x0] =	vst.idx.msk $0xffff, v1;
	v5 =	vor.u32 v13, v2  }
0x1a3: {  	[tilespmem:v9+s9+$0x0] =	vst.idx.msk $0xffff, v1;
	v7 =	vor.u32 v6, v3;
	v6 =	vor.u32 v4, v3  }
0x1a4: {  	s14 =	sadd.s32 $0x1, s14;
	v3 =	vor.u32 v14, v2;
	v4 =	vor.u32 v12, v2;
	[tilespmem:v10+s9+$0x0] =	vst.idx.msk $0xffff, v1  }
0x1a5: {  	_ =	sdelay $0x3  }
0x1a6: {  	[tilespmem:v7+s9+$0x0] =	vst.idx.msk $0xffff, v1  }
0x1a7: {  	v7 =	vld [tilespmem:$0x1FF90];
	[tilespmem:v6+s9+$0x0] =	vst.idx.msk $0xffff, v1  }
0x1a8: {  	[tilespmem:v3+s9+$0x0] =	vst.idx.msk $0xffff, v1;
	v3 =	vld [tilespmem:$0x1FF50]  }
0x1a9: {  	v8 =	vld [tilespmem:$0x1FF60];
	v11 =	vmovc v15;
	v15 =	vmov v16;
	v16 =	vmov v17;
	v17 =	vmov v18  }
0x1aa: {  	v18 =	vmovc v19;
	v19 =	vmovc v20;
	v20 =	vmov v21;
	v21 =	vmov v22;
	v22 =	vmov v23  }
0x1ab: {  	v23 =	vmovc v24;
	v24 =	vmovc v25;
	v25 =	vmov v26;
	v26 =	vmov v27;
	v27 =	vmov v28  }
0x1ac: {  	v14 =	vld [tilespmem:$0x1FFD0];
	v28 =	vmovc v29;
	v29 =	vmovc v30;
	v30 =	vmov v31;
	v31 =	vmov v32;
	v6 =	vor.u32 v7, v2  }
0x1ad: {  	v32 =	vmovc v33;
	v33 =	vmovc v34;
	v34 =	vmov v35;
	v35 =	vmov v36;
	v9 =	vld [tilespmem:$0x1FFB0];
	v3 =	vor.u32 v3, v2  }
0x1ae: {  	v13 =	vlaneseq.u32;
	v36 =	vmovc v37;
	v37 =	vmovc v38;
	v38 =	vmov v39;
	v10 =	vld [tilespmem:$0x1FFA0];
	[tilespmem:v4+s9+$0x0] =	vst.idx.msk $0xffff, v1;
	v2 =	vor.u32 v8, v2  }
.Ltmp4:
0x1af: {  	v39 =	vmovc v40;
	v40 =	vmovc v41;
	v41 =	vmov v42;
	v42 =	vmov v43;
	v43 =	vmov v44;
	v12 =	vld [tilespmem:$0x1FFC0];
	[tilespmem:v5+s9+$0x0] =	vst.idx.msk $0xffff, v1;
	(pc) =	sbr.rel .LBB2_6-.Ltmp4, $4  }
0x1b0: {  	v44 =	vmovc v45;
	v45 =	vmovc v46;
	v46 =	vmov v47;
	v47 =	vmov v48;
	v48 =	vmov v49;
	v4 =	vld [tilespmem:$0x1FF80];
	[tilespmem:v0+s9+$0x0] =	vst.idx.msk $0xffff, v1  }
0x1b1: {  	v49 =	vmovc v50;
	v50 =	vmovc v51;
	v51 =	vmov v52;
	v52 =	vmov v53;
	v53 =	vmov v54;
	v8 =	vld [tilespmem:$0x1FFF0];
	[tilespmem:v6+s9+$0x0] =	vst.idx.msk $0xffff, v1  }
0x1b2: {  	v54 =	vmovc v55;
	v55 =	vmovc v56;
	v56 =	vmov v57;
	v57 =	vmov v58;
	v58 =	vmov v59;
	v6 =	vld [tilespmem:$0x1FFE0];
	[tilespmem:v3+s9+$0x0] =	vst.idx.msk $0xffff, v1  }
0x1b3: {  	s14 =	simm.s32 $0xFFFFFF30;
	s15 =	smov.u32 s6;
	v59 =	vmovc v60;
	v60 =	vmovc v61;
	v61 =	vmov v62;
	v62 =	vmov v63;
	v5 =	vimm.f32 $1.000000000e+00;
	v3 =	vld [tilespmem:$0x1FF70];
	[tilespmem:v2+s9+$0x0] =	vst.idx.msk $0xff, v1  }
.LBB2_8:
0x1b4: {  	_ =	swait.ge @!p0 [sflag:s10], $0x8000  }
0x1b5: {  	s16 =	simm.s32 $0x68;
	[sflag:s10] =	ssyncset.done @!p0 $0x0  }
0x1b6: {  	s16 =	sshra.s32 @!p0 s14, $0x2;
	[sflag:s10] =	ssyncadd.s32 @!p0 $0xFFFF8000  }
0x1b7: {  	v0 =	vld @!p0 [tilespmem:s16+$0x0];
	_ =	sdelay $0x4  }
0x1b8: {  	v2 =	vshll.u32 @!p0 v0, $0x3  }
0x1b9: {  	v0 =	vand.u32 @!p0 $0x7F, v0;
	v2 =	vand.u32 @!p0 $0xFFFFFC00, v2  }
0x1ba: {  	v0 =	vor.u32 @!p0 v0, v2  }
0x1bb: {  	v0 =	vadd.s32 @!p0 v3, v0;
	_ =	sdelay $0x4  }
0x1bc: {  	[tilespmem:v0+s9+$0x0] =	vst.idx.msk @!p0 $0xffff, v1  }
0x1bd: {  	v0 =	vld @!p0 [tilespmem:s16+$0xA];
	_ =	sdelay $0x4  }
0x1be: {  	v2 =	vshll.u32 @!p0 v0, $0x3  }
0x1bf: {  	v0 =	vand.u32 @!p0 $0x7F, v0;
	v2 =	vand.u32 @!p0 $0xFFFFFC00, v2  }
0x1c0: {  	v0 =	vor.u32 @!p0 v0, v2  }
0x1c1: {  	v0 =	vadd.s32 @!p0 v4, v0;
	_ =	sdelay $0x3  }
0x1c2: {  	s16 =	sadd.s32 @!p0 $0xD0, s14  }
0x1c3: {  	s16 =	sshra.s32 s16, $0x2;
	[tilespmem:v0+s9+$0x0] =	vst.idx.msk @!p0 $0xffff, v1  }
0x1c4: {  	v0 =	vld [tilespmem:s16+$0x0];
	_ =	sdelay $0x4  }
0x1c5: {  	v2 =	vshll.u32 v0, $0x3  }
0x1c6: {  	v0 =	vand.u32 $0x7F, v0;
	v2 =	vand.u32 $0xFFFFFC00, v2  }
0x1c7: {  	v0 =	vor.u32 v0, v2  }
0x1c8: {  	v0 =	vadd.s32 v3, v0;
	_ =	sdelay $0x4  }
0x1c9: {  	[tilespmem:v0+s9+$0x0] =	vst.idx.msk $0xffff, v5  }
0x1ca: {  	v0 =	vld [tilespmem:s16+$0xA];
	_ =	sdelay $0x4  }
0x1cb: {  	v2 =	vshll.u32 v0, $0x3  }
0x1cc: {  	v0 =	vand.u32 $0x7F, v0;
	v2 =	vand.u32 $0xFFFFFC00, v2  }
0x1cd: {  	v0 =	vor.u32 v0, v2  }
0x1ce: {  	v0 =	vadd.s32 v4, v0;
	_ =	sdelay $0x4  }
0x1cf: {  	s31 =	sadd.s32 s15, s3;
	[tilespmem:v0+s9+$0x0] =	vst.idx.msk $0xffff, v5  }
0x1d0: {  	[hbm4b:s31+s2] =	stream.linear.scatter [tilespmem:s9], [sflag:$0x2], $0x8000, $0x38;
	[tilespmem:$0x10D00] =	vst v63  }
.LBB2_9:
0x1d1: {  	s14 =	sadd.s32 $0x68, s14  }
0x1d2: {  	p0 =	sne.s32 s14, $0x3330  }
.Ltmp5:
0x1d3: {  	_ = 	snop;
	(pc) =	sbr.rel @!p0 .LBB2_10-.Ltmp5, $2  }
0x1d4: {  	_ =	sdelay $0x2  }
0x1d5: {  	s13 =	sadd.s32 $0x1, s13;
	s15 =	sadd.s32 $0x1000, s15  }
.LBB2_6:
0x1d6: {  	s16 =	sand.u32 $0x1, s13  }
0x1d7: {  	p1 =	seq.s32 s16, $0x1  }
.Ltmp6:
0x1d8: {  	_ = 	snop;
	(pc) =	sbr.rel @p1 .LBB2_8-.Ltmp6, $2  }
0x1d9: {  	_ =	sdelay $0x2  }
0x1da: {  	p0 =	slt.u32 s13, $0x2  }
0x1db: {  	_ =	swait.ge @!p0 [sflag:s11], $0x8000  }
0x1dc: {  	[sflag:s11] =	ssyncset.done @!p0 $0x0  }
0x1dd: {  	s16 =	sshra.s32 s14, $0x2;
	[sflag:s11] =	ssyncadd.s32 @!p0 $0xFFFF8000  }
0x1de: {  	v0 =	vld @!p0 [tilespmem:s16+$0x0];
	_ =	sdelay $0x4  }
0x1df: {  	v2 =	vshll.u32 @!p0 v0, $0x3  }
0x1e0: {  	v0 =	vand.u32 @!p0 $0x7F, v0;
	v2 =	vand.u32 @!p0 $0xFFFFFC00, v2  }
0x1e1: {  	v0 =	vor.u32 @!p0 v0, v2  }
0x1e2: {  	v0 =	vadd.s32 @!p0 v3, v0;
	_ =	sdelay $0x4  }
0x1e3: {  	[tilespmem:v0+s8+$0x0] =	vst.idx.msk @!p0 $0xffff, v1  }
0x1e4: {  	v0 =	vld @!p0 [tilespmem:s16+$0xA];
	_ =	sdelay $0x4  }
0x1e5: {  	v2 =	vshll.u32 @!p0 v0, $0x3  }
0x1e6: {  	v0 =	vand.u32 @!p0 $0x7F, v0;
	v2 =	vand.u32 @!p0 $0xFFFFFC00, v2  }
0x1e7: {  	v0 =	vor.u32 @!p0 v0, v2  }
0x1e8: {  	v0 =	vadd.s32 @!p0 v4, v0;
	_ =	sdelay $0x4  }
0x1e9: {  	[tilespmem:v0+s8+$0x0] =	vst.idx.msk @!p0 $0xffff, v1  }
0x1ea: {  	v0 =	vld [tilespmem:s16+$0x34];
	_ =	sdelay $0x4  }
0x1eb: {  	v2 =	vshll.u32 v0, $0x3  }
0x1ec: {  	v0 =	vand.u32 $0x7F, v0;
	v2 =	vand.u32 $0xFFFFFC00, v2  }
0x1ed: {  	v0 =	vor.u32 v0, v2  }
0x1ee: {  	v0 =	vadd.s32 v3, v0;
	_ =	sdelay $0x4  }
0x1ef: {  	[tilespmem:v0+s8+$0x0] =	vst.idx.msk $0xffff, v5  }
0x1f0: {  	v0 =	vld [tilespmem:s16+$0x3E];
	_ =	sdelay $0x4  }
0x1f1: {  	v2 =	vshll.u32 v0, $0x3  }
0x1f2: {  	v0 =	vand.u32 $0x7F, v0;
	v2 =	vand.u32 $0xFFFFFC00, v2  }
0x1f3: {  	v0 =	vor.u32 v0, v2  }
0x1f4: {  	v0 =	vadd.s32 v4, v0;
	_ =	sdelay $0x1  }
.Ltmp7:
0x1f5: {  	_ = 	snop;
	(pc) =	sbr.rel .LBB2_9-.Ltmp7, $4  }
0x1f6: {  	_ = 	snop  }
0x1f7: {  	s31 =	sand.u32 $0x1FFFE000, s15  }
0x1f8: {  	s16 =	sadd.s32 s3, s31;
	[tilespmem:v0+s8+$0x0] =	vst.idx.msk $0xffff, v5  }
0x1f9: {  	[hbm4b:s16+s2] =	stream.linear.scatter [tilespmem:s8], [sflag:$0x1], $0x8000, $0x38;
	[tilespmem:$0x10D00] =	vst v63  }
.LBB2_11:
0x1fa: {  	_ =	sfence.sel $0x180000  }
0x1fb: {  	[bflag:$0x0] =	sbarrier.arrive $0xFFFF  }
0x1fc: {  	p0 =	sne.s32 s1, $0x0;
	_ =	strace $0x90000047  }
0x1fd: {  	s0 =	sadd.s32 @!p0 $0x100000, s0;
	[bflag:$0x2] =	sbarrier.arrive $0xFFFF  }
0x1fe: {  	[sflag:s0] =	ssyncadd.tile.s32 @!p0 $0x1;
	_ =	shalt  }
.Lfunc_end2:
_tile_overlayer_lowered:
.L_overlay_start_2:
0x1ff: {  	(tag) =	ssettag $0x2  }
0x200: {  	s0 =	rddreg [dreg:$0x0];
	s2 =	stileid.u32  }
0x201: {  	s1 =	rddreg [dreg:$0x1];
	p0 =	sne.s32 s2, $0x0  }
0x202: {  	s3 =	rddreg [dreg:$0x2];
	[bflag:$0x3] =	sbarrier.arrive $0xFFFF;
	s2 =	simm.s32 @!p0 $0x1C03  }
0x203: {  	[timem:s3], [sflag:s2] =	dma.local @!p0 [hbm:s0], s1  }
0x204: {  	s0 =	simm.s32 @!p0 $0x3  }
0x205: {  	_ =	swait.ge @!p0 [sflag:s0], s1  }
0x206: {  	s1 =	ssub.s32 @!p0 $0x0, s1;
	[sflag:s0] =	ssyncset.done @!p0 $0x0  }
0x207: {  	[sflag:s0] =	ssyncadd.s32 @!p0 s1  }
0x208: {  	[bflag:$0x3] =	sbarrier.arrive $0xFFFF  }
0x209: {  	_ =	shalt  }

</sc_bundles>
